<compile_context>
chip_gen: v7x
topology: tpu7x:2x2x1
jax: 0.10.2.dev20260603
libtpu: 0.0.44.dev20260713+nightly
codegen_flags: <defaults>
</compile_context>

<pallas_src>
import functools

import jax
import jax.numpy as jnp
from jax import lax
from jax.experimental import pallas as pl
from jax.experimental.pallas import tpu as pltpu
from jax.experimental.pallas import tpu_sc as plsc

_NC = 2
_NS = 16
_NW = _NC * _NS

_C = 128
_NBUF = 10
_W = 128


def _make_sc_gather(nch: int, d: int):
    mesh = plsc.VectorSubcoreMesh(core_axis_name="c", subcore_axis_name="s")
    b_total = _NW * nch * _C

    @functools.partial(
        pl.kernel,
        mesh=mesh,
        out_type=jax.ShapeDtypeStruct((b_total, _W), jnp.float32),
        scratch_types=(
            [
                pltpu.VMEM((nch, _C), jnp.int32),
                pltpu.VMEM((_NBUF, _C, d), jnp.float32),
            ]
            + [pltpu.SemaphoreType.DMA] * _NBUF
            + [pltpu.SemaphoreType.DMA] * _NBUF
        ),
        compiler_params=pltpu.CompilerParams(use_tc_tiling_on_sc=False),
    )
    def sc_gather(ids_hbm, table_hbm, out_hbm, idx_v, rows_v, *sems):
        gsems = sems[:_NBUF]
        ssems = sems[_NBUF:]
        wid = lax.axis_index("s") * _NC + lax.axis_index("c")
        base = wid * (nch * _C)
        pltpu.sync_copy(ids_hbm.at[wid], idx_v)

        def group(g, carry):
            gds = []
            for b in range(_NBUF):
                i = g * _NBUF + b
                gds.append(
                    pltpu.async_copy(
                        table_hbm.at[idx_v.at[i]], rows_v.at[b], gsems[b]
                    )
                )
            sds = []
            for b in range(_NBUF):
                i = g * _NBUF + b
                gds[b].wait()
                sds.append(
                    pltpu.async_copy(
                        rows_v.at[b],
                        out_hbm.at[pl.ds(base + i * _C, _C), pl.ds(0, d)],
                        ssems[b],
                    )
                )
            for b in range(_NBUF):
                sds[b].wait()
            return carry

        lax.fori_loop(0, nch // _NBUF, group, 0)

    return sc_gather


def kernel(input, table):
    bsz, hist = input.shape
    d = table.shape[1]
    n = bsz * hist
    assert n % (_NW * _C * _NBUF) == 0
    nch = n // (_NW * _C)
    ids = input.T.astype(jnp.int32).reshape(_NW, nch, _C)
    rows = _make_sc_gather(nch, d)(ids, table)
    return jnp.transpose(rows.reshape(hist, bsz, _W)[:, :, :d], (1, 0, 2))

# --- scband reference (transcript-rebuilt; emitter-appended) ---
"""Pipeline reference for scband-pretrained-embs-69363721830824 (READ-ONLY COPY).

The authoritative reference and input builder live on the scoring server;
editing this copy changes nothing except your own understanding.
"""

import jax, jax.numpy as jnp
import numpy as np

VOCAB = 1000000
EMBED_DIM = 64
BATCH = 16384
HIST = 50

def setup_inputs(seed: int = 0) -> dict:
    key = jax.random.key(seed)
    k_ids, k_tab = jax.random.split(key)
    ids = jax.random.randint(k_ids, (BATCH, HIST), 0, VOCAB, dtype=jnp.int64 if jax.config.jax_enable_x64 else jnp.int32)
    # Pretrained embedding matrix stand-in (word2vec-style vectors)
    table = jax.random.normal(k_tab, (VOCAB, EMBED_DIM), dtype=jnp.float32)
    return {"input": ids, "table": table}

def reference(input, table):
    # PretrainedEmbs.forward with lengths=None: embedding lookup on the
    # pretrained vocab matrix (nn.Embedding.from_pretrained -> table[ids]).
    embs = jnp.take(table, input, axis=0)
    return embs

if __name__ == "__main__":
    import jax
    _d = setup_inputs()
    print(jax.jit(kernel)(*tuple(_d.values())))

</pallas_src>

<mosaic_0001>
#map = affine_map<(d0, d1) -> (0, 0, 0)>
#map1 = affine_map<(d0, d1) -> (0, 0)>
module attributes {stable_mosaic.version = 14 : i64} {
  func.func @sc_gather(%arg0: i32, %arg1: i32, %arg2: memref<32x200x128xi32, #tpu.memory_space<hbm>>, %arg3: memref<1000000x64xf32, #tpu.memory_space<hbm>>, %arg4: memref<819200x128xf32, #tpu.memory_space<hbm>>, %arg5: memref<200x128xi32, #tpu.memory_space<vmem>>, %arg6: memref<10x128x64xf32, #tpu.memory_space<vmem>>, %arg7: memref<!tpu.dma_semaphore, #tpu.memory_space<semaphore_mem>>, %arg8: memref<!tpu.dma_semaphore, #tpu.memory_space<semaphore_mem>>, %arg9: memref<!tpu.dma_semaphore, #tpu.memory_space<semaphore_mem>>, %arg10: memref<!tpu.dma_semaphore, #tpu.memory_space<semaphore_mem>>, %arg11: memref<!tpu.dma_semaphore, #tpu.memory_space<semaphore_mem>>, %arg12: memref<!tpu.dma_semaphore, #tpu.memory_space<semaphore_mem>>, %arg13: memref<!tpu.dma_semaphore, #tpu.memory_space<semaphore_mem>>, %arg14: memref<!tpu.dma_semaphore, #tpu.memory_space<semaphore_mem>>, %arg15: memref<!tpu.dma_semaphore, #tpu.memory_space<semaphore_mem>>, %arg16: memref<!tpu.dma_semaphore, #tpu.memory_space<semaphore_mem>>, %arg17: memref<!tpu.dma_semaphore, #tpu.memory_space<semaphore_mem>>, %arg18: memref<!tpu.dma_semaphore, #tpu.memory_space<semaphore_mem>>, %arg19: memref<!tpu.dma_semaphore, #tpu.memory_space<semaphore_mem>>, %arg20: memref<!tpu.dma_semaphore, #tpu.memory_space<semaphore_mem>>, %arg21: memref<!tpu.dma_semaphore, #tpu.memory_space<semaphore_mem>>, %arg22: memref<!tpu.dma_semaphore, #tpu.memory_space<semaphore_mem>>, %arg23: memref<!tpu.dma_semaphore, #tpu.memory_space<semaphore_mem>>, %arg24: memref<!tpu.dma_semaphore, #tpu.memory_space<semaphore_mem>>, %arg25: memref<!tpu.dma_semaphore, #tpu.memory_space<semaphore_mem>>, %arg26: memref<!tpu.dma_semaphore, #tpu.memory_space<semaphore_mem>>) attributes {dimension_semantics = [#tpu.dimension_semantics<core_parallel>, #tpu.dimension_semantics<subcore_parallel>], iteration_bounds = array<i64: 2, 16>, scalar_prefetch = 0 : i64, scratch_operands = 22 : i64, tpu.core_type = #tpu.core_type<sc_vector_subcore>, window_params = [{transform_indices = #map}, {transform_indices = #map1}, {transform_indices = #map1}]} {
    %mul3A = arith.constant 2 : i32
    %mul3A_0 = arith.muli %arg1, %mul3A : i32
    %add3A = arith.addi %mul3A_0, %arg0 : i32
    %mul3A_1 = arith.constant 25600 : i32
    %mul3A_2 = arith.muli %add3A, %mul3A_1 : i32
    "tpu.region"() ({
      %run_scoped3A = tpu.sem_alloc : memref<!tpu.dma_semaphore, #tpu.memory_space<semaphore_mem>>
      %dma_start3A = arith.constant 0 : i32
      %dma_start3A_8 = arith.constant 0 : i32
      %dma_start3A_9 = tpu.memref_slice %arg2[%add3A, %dma_start3A, %dma_start3A_8] : memref<32x200x128xi32, #tpu.memory_space<hbm>> -> memref<1x200x128xi32, #tpu.memory_space<hbm>>
      %dma_start3A_10 = tpu.memref_squeeze %dma_start3A_9 : memref<1x200x128xi32, #tpu.memory_space<hbm>> -> memref<200x128xi32, #tpu.memory_space<hbm>>
      %dma_start3A_11 = arith.constant 0 : i32
      %dma_start3A_12 = arith.constant 0 : i32
      %dma_start3A_13 = tpu.memref_slice %arg2[%add3A, %dma_start3A_11, %dma_start3A_12] : memref<32x200x128xi32, #tpu.memory_space<hbm>> -> memref<1x200x128xi32, #tpu.memory_space<hbm>>
      %dma_start3A_14 = tpu.memref_squeeze %dma_start3A_13 : memref<1x200x128xi32, #tpu.memory_space<hbm>> -> memref<200x128xi32, #tpu.memory_space<hbm>>
      tpu.enqueue_dma source(%dma_start3A_14 : memref<200x128xi32, #tpu.memory_space<hbm>>) target(%arg5 : memref<200x128xi32, #tpu.memory_space<vmem>>) target_semaphore(%run_scoped3A : memref<!tpu.dma_semaphore, #tpu.memory_space<semaphore_mem>>)
      %dma_wait3A = arith.constant 0 : i32
      %dma_wait3A_15 = arith.constant 0 : i32
      %dma_wait3A_16 = tpu.memref_slice %arg2[%add3A, %dma_wait3A, %dma_wait3A_15] : memref<32x200x128xi32, #tpu.memory_space<hbm>> -> memref<1x200x128xi32, #tpu.memory_space<hbm>>
      %dma_wait3A_17 = tpu.memref_squeeze %dma_wait3A_16 : memref<1x200x128xi32, #tpu.memory_space<hbm>> -> memref<200x128xi32, #tpu.memory_space<hbm>>
      %dma_wait3A_18 = arith.constant 0 : i32
      %dma_wait3A_19 = arith.constant 0 : i32
      %dma_wait3A_20 = tpu.memref_slice %arg2[%add3A, %dma_wait3A_18, %dma_wait3A_19] : memref<32x200x128xi32, #tpu.memory_space<hbm>> -> memref<1x200x128xi32, #tpu.memory_space<hbm>>
      %dma_wait3A_21 = tpu.memref_squeeze %dma_wait3A_20 : memref<1x200x128xi32, #tpu.memory_space<hbm>> -> memref<200x128xi32, #tpu.memory_space<hbm>>
      tpu.wait_dma2 semaphore(%run_scoped3A : memref<!tpu.dma_semaphore, #tpu.memory_space<semaphore_mem>>) src(%dma_wait3A_21 : memref<200x128xi32, #tpu.memory_space<hbm>>) dst(%arg5 : memref<200x128xi32, #tpu.memory_space<vmem>>)
      tpu.yield
    }) : () -> ()
    %scan3A = arith.constant 0 : i32
    %scan3A_3 = arith.constant 0 : i32
    %scan3A_4 = arith.constant 20 : i32
    %scan3A_5 = arith.addi %scan3A_3, %scan3A_4 : i32
    %scan3A_6 = arith.constant 1 : i32
    scf.for %scan3A_8 = %scan3A_3 to %scan3A_5 step %scan3A_6  : i32 {
      %mul3A_9 = arith.constant 10 : i32
      %mul3A_10 = arith.muli %scan3A_8, %mul3A_9 : i32
      %add3A_11 = arith.constant 0 : i32
      %add3A_12 = arith.addi %mul3A_10, %add3A_11 : i32
      %dma_start3A = arith.constant 0 : i32
      %dma_start3A_13 = arith.constant 0 : i32
      %dma_start3A_14 = arith.constant 0 : i32
      %dma_start3A_15 = tpu.memref_slice %arg6[%dma_start3A, %dma_start3A_13, %dma_start3A_14] : memref<10x128x64xf32, #tpu.memory_space<vmem>> -> memref<1x128x64xf32, #tpu.memory_space<vmem>>
      %dma_start3A_16 = tpu.memref_squeeze %dma_start3A_15 : memref<1x128x64xf32, #tpu.memory_space<vmem>> -> memref<128x64xf32, #tpu.memory_space<vmem>>
      %dma_start3A_17 = arith.constant 0 : i32
      %dma_start3A_18 = tpu.memref_slice %arg5[%add3A_12, %dma_start3A_17] : memref<200x128xi32, #tpu.memory_space<vmem>> -> memref<1x128xi32, #tpu.memory_space<vmem>>
      %dma_start3A_19 = tpu.memref_squeeze %dma_start3A_18 : memref<1x128xi32, #tpu.memory_space<vmem>> -> memref<128xi32, #tpu.memory_space<vmem>>
      %dma_start3A_20 = arith.constant 0 : i32
      %dma_start3A_21 = arith.constant 0 : i32
      %dma_start3A_22 = tpu.memref_slice %arg3[%dma_start3A_20, %dma_start3A_21] : memref<1000000x64xf32, #tpu.memory_space<hbm>> -> memref<1000000x64xf32, #tpu.memory_space<hbm>>
      tpu.enqueue_indirect_dma source(%dma_start3A_22 : memref<1000000x64xf32, #tpu.memory_space<hbm>>) target(%dma_start3A_16 : memref<128x64xf32, #tpu.memory_space<vmem>>) offsets(%dma_start3A_19 : memref<128xi32, #tpu.memory_space<vmem>>) semaphore(%arg7 : memref<!tpu.dma_semaphore, #tpu.memory_space<semaphore_mem>>)
      %mul3A_23 = arith.constant 10 : i32
      %mul3A_24 = arith.muli %scan3A_8, %mul3A_23 : i32
      %add3A_25 = arith.constant 1 : i32
      %add3A_26 = arith.addi %mul3A_24, %add3A_25 : i32
      %dma_start3A_27 = arith.constant 1 : i32
      %dma_start3A_28 = arith.constant 0 : i32
      %dma_start3A_29 = arith.constant 0 : i32
      %dma_start3A_30 = tpu.memref_slice %arg6[%dma_start3A_27, %dma_start3A_28, %dma_start3A_29] : memref<10x128x64xf32, #tpu.memory_space<vmem>> -> memref<1x128x64xf32, #tpu.memory_space<vmem>>
      %dma_start3A_31 = tpu.memref_squeeze %dma_start3A_30 : memref<1x128x64xf32, #tpu.memory_space<vmem>> -> memref<128x64xf32, #tpu.memory_space<vmem>>
      %dma_start3A_32 = arith.constant 0 : i32
      %dma_start3A_33 = tpu.memref_slice %arg5[%add3A_26, %dma_start3A_32] : memref<200x128xi32, #tpu.memory_space<vmem>> -> memref<1x128xi32, #tpu.memory_space<vmem>>
      %dma_start3A_34 = tpu.memref_squeeze %dma_start3A_33 : memref<1x128xi32, #tpu.memory_space<vmem>> -> memref<128xi32, #tpu.memory_space<vmem>>
      %dma_start3A_35 = arith.constant 0 : i32
      %dma_start3A_36 = arith.constant 0 : i32
      %dma_start3A_37 = tpu.memref_slice %arg3[%dma_start3A_35, %dma_start3A_36] : memref<1000000x64xf32, #tpu.memory_space<hbm>> -> memref<1000000x64xf32, #tpu.memory_space<hbm>>
      tpu.enqueue_indirect_dma source(%dma_start3A_37 : memref<1000000x64xf32, #tpu.memory_space<hbm>>) target(%dma_start3A_31 : memref<128x64xf32, #tpu.memory_space<vmem>>) offsets(%dma_start3A_34 : memref<128xi32, #tpu.memory_space<vmem>>) semaphore(%arg8 : memref<!tpu.dma_semaphore, #tpu.memory_space<semaphore_mem>>)
      %mul3A_38 = arith.constant 10 : i32
      %mul3A_39 = arith.muli %scan3A_8, %mul3A_38 : i32
      %add3A_40 = arith.constant 2 : i32
      %add3A_41 = arith.addi %mul3A_39, %add3A_40 : i32
      %dma_start3A_42 = arith.constant 2 : i32
      %dma_start3A_43 = arith.constant 0 : i32
      %dma_start3A_44 = arith.constant 0 : i32
      %dma_start3A_45 = tpu.memref_slice %arg6[%dma_start3A_42, %dma_start3A_43, %dma_start3A_44] : memref<10x128x64xf32, #tpu.memory_space<vmem>> -> memref<1x128x64xf32, #tpu.memory_space<vmem>>
      %dma_start3A_46 = tpu.memref_squeeze %dma_start3A_45 : memref<1x128x64xf32, #tpu.memory_space<vmem>> -> memref<128x64xf32, #tpu.memory_space<vmem>>
      %dma_start3A_47 = arith.constant 0 : i32
      %dma_start3A_48 = tpu.memref_slice %arg5[%add3A_41, %dma_start3A_47] : memref<200x128xi32, #tpu.memory_space<vmem>> -> memref<1x128xi32, #tpu.memory_space<vmem>>
      %dma_start3A_49 = tpu.memref_squeeze %dma_start3A_48 : memref<1x128xi32, #tpu.memory_space<vmem>> -> memref<128xi32, #tpu.memory_space<vmem>>
      %dma_start3A_50 = arith.constant 0 : i32
      %dma_start3A_51 = arith.constant 0 : i32
      %dma_start3A_52 = tpu.memref_slice %arg3[%dma_start3A_50, %dma_start3A_51] : memref<1000000x64xf32, #tpu.memory_space<hbm>> -> memref<1000000x64xf32, #tpu.memory_space<hbm>>
      tpu.enqueue_indirect_dma source(%dma_start3A_52 : memref<1000000x64xf32, #tpu.memory_space<hbm>>) target(%dma_start3A_46 : memref<128x64xf32, #tpu.memory_space<vmem>>) offsets(%dma_start3A_49 : memref<128xi32, #tpu.memory_space<vmem>>) semaphore(%arg9 : memref<!tpu.dma_semaphore, #tpu.memory_space<semaphore_mem>>)
      %mul3A_53 = arith.constant 10 : i32
      %mul3A_54 = arith.muli %scan3A_8, %mul3A_53 : i32
      %add3A_55 = arith.constant 3 : i32
      %add3A_56 = arith.addi %mul3A_54, %add3A_55 : i32
      %dma_start3A_57 = arith.constant 3 : i32
      %dma_start3A_58 = arith.constant 0 : i32
      %dma_start3A_59 = arith.constant 0 : i32
      %dma_start3A_60 = tpu.memref_slice %arg6[%dma_start3A_57, %dma_start3A_58, %dma_start3A_59] : memref<10x128x64xf32, #tpu.memory_space<vmem>> -> memref<1x128x64xf32, #tpu.memory_space<vmem>>
      %dma_start3A_61 = tpu.memref_squeeze %dma_start3A_60 : memref<1x128x64xf32, #tpu.memory_space<vmem>> -> memref<128x64xf32, #tpu.memory_space<vmem>>
      %dma_start3A_62 = arith.constant 0 : i32
      %dma_start3A_63 = tpu.memref_slice %arg5[%add3A_56, %dma_start3A_62] : memref<200x128xi32, #tpu.memory_space<vmem>> -> memref<1x128xi32, #tpu.memory_space<vmem>>
      %dma_start3A_64 = tpu.memref_squeeze %dma_start3A_63 : memref<1x128xi32, #tpu.memory_space<vmem>> -> memref<128xi32, #tpu.memory_space<vmem>>
      %dma_start3A_65 = arith.constant 0 : i32
      %dma_start3A_66 = arith.constant 0 : i32
      %dma_start3A_67 = tpu.memref_slice %arg3[%dma_start3A_65, %dma_start3A_66] : memref<1000000x64xf32, #tpu.memory_space<hbm>> -> memref<1000000x64xf32, #tpu.memory_space<hbm>>
      tpu.enqueue_indirect_dma source(%dma_start3A_67 : memref<1000000x64xf32, #tpu.memory_space<hbm>>) target(%dma_start3A_61 : memref<128x64xf32, #tpu.memory_space<vmem>>) offsets(%dma_start3A_64 : memref<128xi32, #tpu.memory_space<vmem>>) semaphore(%arg10 : memref<!tpu.dma_semaphore, #tpu.memory_space<semaphore_mem>>)
      %mul3A_68 = arith.constant 10 : i32
      %mul3A_69 = arith.muli %scan3A_8, %mul3A_68 : i32
      %add3A_70 = arith.constant 4 : i32
      %add3A_71 = arith.addi %mul3A_69, %add3A_70 : i32
      %dma_start3A_72 = arith.constant 4 : i32
      %dma_start3A_73 = arith.constant 0 : i32
      %dma_start3A_74 = arith.constant 0 : i32
      %dma_start3A_75 = tpu.memref_slice %arg6[%dma_start3A_72, %dma_start3A_73, %dma_start3A_74] : memref<10x128x64xf32, #tpu.memory_space<vmem>> -> memref<1x128x64xf32, #tpu.memory_space<vmem>>
      %dma_start3A_76 = tpu.memref_squeeze %dma_start3A_75 : memref<1x128x64xf32, #tpu.memory_space<vmem>> -> memref<128x64xf32, #tpu.memory_space<vmem>>
      %dma_start3A_77 = arith.constant 0 : i32
      %dma_start3A_78 = tpu.memref_slice %arg5[%add3A_71, %dma_start3A_77] : memref<200x128xi32, #tpu.memory_space<vmem>> -> memref<1x128xi32, #tpu.memory_space<vmem>>
      %dma_start3A_79 = tpu.memref_squeeze %dma_start3A_78 : memref<1x128xi32, #tpu.memory_space<vmem>> -> memref<128xi32, #tpu.memory_space<vmem>>
      %dma_start3A_80 = arith.constant 0 : i32
      %dma_start3A_81 = arith.constant 0 : i32
      %dma_start3A_82 = tpu.memref_slice %arg3[%dma_start3A_80, %dma_start3A_81] : memref<1000000x64xf32, #tpu.memory_space<hbm>> -> memref<1000000x64xf32, #tpu.memory_space<hbm>>
      tpu.enqueue_indirect_dma source(%dma_start3A_82 : memref<1000000x64xf32, #tpu.memory_space<hbm>>) target(%dma_start3A_76 : memref<128x64xf32, #tpu.memory_space<vmem>>) offsets(%dma_start3A_79 : memref<128xi32, #tpu.memory_space<vmem>>) semaphore(%arg11 : memref<!tpu.dma_semaphore, #tpu.memory_space<semaphore_mem>>)
      %mul3A_83 = arith.constant 10 : i32
      %mul3A_84 = arith.muli %scan3A_8, %mul3A_83 : i32
      %add3A_85 = arith.constant 5 : i32
      %add3A_86 = arith.addi %mul3A_84, %add3A_85 : i32
      %dma_start3A_87 = arith.constant 5 : i32
      %dma_start3A_88 = arith.constant 0 : i32
      %dma_start3A_89 = arith.constant 0 : i32
      %dma_start3A_90 = tpu.memref_slice %arg6[%dma_start3A_87, %dma_start3A_88, %dma_start3A_89] : memref<10x128x64xf32, #tpu.memory_space<vmem>> -> memref<1x128x64xf32, #tpu.memory_space<vmem>>
      %dma_start3A_91 = tpu.memref_squeeze %dma_start3A_90 : memref<1x128x64xf32, #tpu.memory_space<vmem>> -> memref<128x64xf32, #tpu.memory_space<vmem>>
      %dma_start3A_92 = arith.constant 0 : i32
      %dma_start3A_93 = tpu.memref_slice %arg5[%add3A_86, %dma_start3A_92] : memref<200x128xi32, #tpu.memory_space<vmem>> -> memref<1x128xi32, #tpu.memory_space<vmem>>
      %dma_start3A_94 = tpu.memref_squeeze %dma_start3A_93 : memref<1x128xi32, #tpu.memory_space<vmem>> -> memref<128xi32, #tpu.memory_space<vmem>>
      %dma_start3A_95 = arith.constant 0 : i32
      %dma_start3A_96 = arith.constant 0 : i32
      %dma_start3A_97 = tpu.memref_slice %arg3[%dma_start3A_95, %dma_start3A_96] : memref<1000000x64xf32, #tpu.memory_space<hbm>> -> memref<1000000x64xf32, #tpu.memory_space<hbm>>
      tpu.enqueue_indirect_dma source(%dma_start3A_97 : memref<1000000x64xf32, #tpu.memory_space<hbm>>) target(%dma_start3A_91 : memref<128x64xf32, #tpu.memory_space<vmem>>) offsets(%dma_start3A_94 : memref<128xi32, #tpu.memory_space<vmem>>) semaphore(%arg12 : memref<!tpu.dma_semaphore, #tpu.memory_space<semaphore_mem>>)
      %mul3A_98 = arith.constant 10 : i32
      %mul3A_99 = arith.muli %scan3A_8, %mul3A_98 : i32
      %add3A_100 = arith.constant 6 : i32
      %add3A_101 = arith.addi %mul3A_99, %add3A_100 : i32
      %dma_start3A_102 = arith.constant 6 : i32
      %dma_start3A_103 = arith.constant 0 : i32
      %dma_start3A_104 = arith.constant 0 : i32
      %dma_start3A_105 = tpu.memref_slice %arg6[%dma_start3A_102, %dma_start3A_103, %dma_start3A_104] : memref<10x128x64xf32, #tpu.memory_space<vmem>> -> memref<1x128x64xf32, #tpu.memory_space<vmem>>
      %dma_start3A_106 = tpu.memref_squeeze %dma_start3A_105 : memref<1x128x64xf32, #tpu.memory_space<vmem>> -> memref<128x64xf32, #tpu.memory_space<vmem>>
      %dma_start3A_107 = arith.constant 0 : i32
      %dma_start3A_108 = tpu.memref_slice %arg5[%add3A_101, %dma_start3A_107] : memref<200x128xi32, #tpu.memory_space<vmem>> -> memref<1x128xi32, #tpu.memory_space<vmem>>
      %dma_start3A_109 = tpu.memref_squeeze %dma_start3A_108 : memref<1x128xi32, #tpu.memory_space<vmem>> -> memref<128xi32, #tpu.memory_space<vmem>>
      %dma_start3A_110 = arith.constant 0 : i32
      %dma_start3A_111 = arith.constant 0 : i32
      %dma_start3A_112 = tpu.memref_slice %arg3[%dma_start3A_110, %dma_start3A_111] : memref<1000000x64xf32, #tpu.memory_space<hbm>> -> memref<1000000x64xf32, #tpu.memory_space<hbm>>
      tpu.enqueue_indirect_dma source(%dma_start3A_112 : memref<1000000x64xf32, #tpu.memory_space<hbm>>) target(%dma_start3A_106 : memref<128x64xf32, #tpu.memory_space<vmem>>) offsets(%dma_start3A_109 : memref<128xi32, #tpu.memory_space<vmem>>) semaphore(%arg13 : memref<!tpu.dma_semaphore, #tpu.memory_space<semaphore_mem>>)
      %mul3A_113 = arith.constant 10 : i32
      %mul3A_114 = arith.muli %scan3A_8, %mul3A_113 : i32
      %add3A_115 = arith.constant 7 : i32
      %add3A_116 = arith.addi %mul3A_114, %add3A_115 : i32
      %dma_start3A_117 = arith.constant 7 : i32
      %dma_start3A_118 = arith.constant 0 : i32
      %dma_start3A_119 = arith.constant 0 : i32
      %dma_start3A_120 = tpu.memref_slice %arg6[%dma_start3A_117, %dma_start3A_118, %dma_start3A_119] : memref<10x128x64xf32, #tpu.memory_space<vmem>> -> memref<1x128x64xf32, #tpu.memory_space<vmem>>
      %dma_start3A_121 = tpu.memref_squeeze %dma_start3A_120 : memref<1x128x64xf32, #tpu.memory_space<vmem>> -> memref<128x64xf32, #tpu.memory_space<vmem>>
      %dma_start3A_122 = arith.constant 0 : i32
      %dma_start3A_123 = tpu.memref_slice %arg5[%add3A_116, %dma_start3A_122] : memref<200x128xi32, #tpu.memory_space<vmem>> -> memref<1x128xi32, #tpu.memory_space<vmem>>
      %dma_start3A_124 = tpu.memref_squeeze %dma_start3A_123 : memref<1x128xi32, #tpu.memory_space<vmem>> -> memref<128xi32, #tpu.memory_space<vmem>>
      %dma_start3A_125 = arith.constant 0 : i32
      %dma_start3A_126 = arith.constant 0 : i32
      %dma_start3A_127 = tpu.memref_slice %arg3[%dma_start3A_125, %dma_start3A_126] : memref<1000000x64xf32, #tpu.memory_space<hbm>> -> memref<1000000x64xf32, #tpu.memory_space<hbm>>
      tpu.enqueue_indirect_dma source(%dma_start3A_127 : memref<1000000x64xf32, #tpu.memory_space<hbm>>) target(%dma_start3A_121 : memref<128x64xf32, #tpu.memory_space<vmem>>) offsets(%dma_start3A_124 : memref<128xi32, #tpu.memory_space<vmem>>) semaphore(%arg14 : memref<!tpu.dma_semaphore, #tpu.memory_space<semaphore_mem>>)
      %mul3A_128 = arith.constant 10 : i32
      %mul3A_129 = arith.muli %scan3A_8, %mul3A_128 : i32
      %add3A_130 = arith.constant 8 : i32
      %add3A_131 = arith.addi %mul3A_129, %add3A_130 : i32
      %dma_start3A_132 = arith.constant 8 : i32
      %dma_start3A_133 = arith.constant 0 : i32
      %dma_start3A_134 = arith.constant 0 : i32
      %dma_start3A_135 = tpu.memref_slice %arg6[%dma_start3A_132, %dma_start3A_133, %dma_start3A_134] : memref<10x128x64xf32, #tpu.memory_space<vmem>> -> memref<1x128x64xf32, #tpu.memory_space<vmem>>
      %dma_start3A_136 = tpu.memref_squeeze %dma_start3A_135 : memref<1x128x64xf32, #tpu.memory_space<vmem>> -> memref<128x64xf32, #tpu.memory_space<vmem>>
      %dma_start3A_137 = arith.constant 0 : i32
      %dma_start3A_138 = tpu.memref_slice %arg5[%add3A_131, %dma_start3A_137] : memref<200x128xi32, #tpu.memory_space<vmem>> -> memref<1x128xi32, #tpu.memory_space<vmem>>
      %dma_start3A_139 = tpu.memref_squeeze %dma_start3A_138 : memref<1x128xi32, #tpu.memory_space<vmem>> -> memref<128xi32, #tpu.memory_space<vmem>>
      %dma_start3A_140 = arith.constant 0 : i32
      %dma_start3A_141 = arith.constant 0 : i32
      %dma_start3A_142 = tpu.memref_slice %arg3[%dma_start3A_140, %dma_start3A_141] : memref<1000000x64xf32, #tpu.memory_space<hbm>> -> memref<1000000x64xf32, #tpu.memory_space<hbm>>
      tpu.enqueue_indirect_dma source(%dma_start3A_142 : memref<1000000x64xf32, #tpu.memory_space<hbm>>) target(%dma_start3A_136 : memref<128x64xf32, #tpu.memory_space<vmem>>) offsets(%dma_start3A_139 : memref<128xi32, #tpu.memory_space<vmem>>) semaphore(%arg15 : memref<!tpu.dma_semaphore, #tpu.memory_space<semaphore_mem>>)
      %mul3A_143 = arith.constant 10 : i32
      %mul3A_144 = arith.muli %scan3A_8, %mul3A_143 : i32
      %add3A_145 = arith.constant 9 : i32
      %add3A_146 = arith.addi %mul3A_144, %add3A_145 : i32
      %dma_start3A_147 = arith.constant 9 : i32
      %dma_start3A_148 = arith.constant 0 : i32
      %dma_start3A_149 = arith.constant 0 : i32
      %dma_start3A_150 = tpu.memref_slice %arg6[%dma_start3A_147, %dma_start3A_148, %dma_start3A_149] : memref<10x128x64xf32, #tpu.memory_space<vmem>> -> memref<1x128x64xf32, #tpu.memory_space<vmem>>
      %dma_start3A_151 = tpu.memref_squeeze %dma_start3A_150 : memref<1x128x64xf32, #tpu.memory_space<vmem>> -> memref<128x64xf32, #tpu.memory_space<vmem>>
      %dma_start3A_152 = arith.constant 0 : i32
      %dma_start3A_153 = tpu.memref_slice %arg5[%add3A_146, %dma_start3A_152] : memref<200x128xi32, #tpu.memory_space<vmem>> -> memref<1x128xi32, #tpu.memory_space<vmem>>
      %dma_start3A_154 = tpu.memref_squeeze %dma_start3A_153 : memref<1x128xi32, #tpu.memory_space<vmem>> -> memref<128xi32, #tpu.memory_space<vmem>>
      %dma_start3A_155 = arith.constant 0 : i32
      %dma_start3A_156 = arith.constant 0 : i32
      %dma_start3A_157 = tpu.memref_slice %arg3[%dma_start3A_155, %dma_start3A_156] : memref<1000000x64xf32, #tpu.memory_space<hbm>> -> memref<1000000x64xf32, #tpu.memory_space<hbm>>
      tpu.enqueue_indirect_dma source(%dma_start3A_157 : memref<1000000x64xf32, #tpu.memory_space<hbm>>) target(%dma_start3A_151 : memref<128x64xf32, #tpu.memory_space<vmem>>) offsets(%dma_start3A_154 : memref<128xi32, #tpu.memory_space<vmem>>) semaphore(%arg16 : memref<!tpu.dma_semaphore, #tpu.memory_space<semaphore_mem>>)
      %mul3A_158 = arith.constant 10 : i32
      %mul3A_159 = arith.muli %scan3A_8, %mul3A_158 : i32
      %add3A_160 = arith.constant 0 : i32
      %add3A_161 = arith.addi %mul3A_159, %add3A_160 : i32
      %dma_wait3A = arith.constant 0 : i32
      %dma_wait3A_162 = arith.constant 0 : i32
      %dma_wait3A_163 = arith.constant 0 : i32
      %dma_wait3A_164 = tpu.memref_slice %arg6[%dma_wait3A, %dma_wait3A_162, %dma_wait3A_163] : memref<10x128x64xf32, #tpu.memory_space<vmem>> -> memref<1x128x64xf32, #tpu.memory_space<vmem>>
      %dma_wait3A_165 = tpu.memref_squeeze %dma_wait3A_164 : memref<1x128x64xf32, #tpu.memory_space<vmem>> -> memref<128x64xf32, #tpu.memory_space<vmem>>
      %dma_wait3A_166 = arith.constant 0 : i32
      %dma_wait3A_167 = tpu.memref_slice %arg5[%add3A_12, %dma_wait3A_166] : memref<200x128xi32, #tpu.memory_space<vmem>> -> memref<1x128xi32, #tpu.memory_space<vmem>>
      %dma_wait3A_168 = tpu.memref_squeeze %dma_wait3A_167 : memref<1x128xi32, #tpu.memory_space<vmem>> -> memref<128xi32, #tpu.memory_space<vmem>>
      %dma_wait3A_169 = arith.constant 0 : i32
      %dma_wait3A_170 = arith.constant 0 : i32
      %dma_wait3A_171 = tpu.memref_slice %arg3[%dma_wait3A_169, %dma_wait3A_170] : memref<1000000x64xf32, #tpu.memory_space<hbm>> -> memref<1000000x64xf32, #tpu.memory_space<hbm>>
      tpu.wait_indirect_dma semaphore(%arg7 : memref<!tpu.dma_semaphore, #tpu.memory_space<semaphore_mem>>) src(%dma_wait3A_171 : memref<1000000x64xf32, #tpu.memory_space<hbm>>) dst(%dma_wait3A_165 : memref<128x64xf32, #tpu.memory_space<vmem>>)
      %mul3A_172 = arith.constant 128 : i32
      %mul3A_173 = arith.muli %add3A_161, %mul3A_172 : i32
      %add3A_174 = arith.addi %mul3A_2, %mul3A_173 : i32
      %dma_start3A_175 = arith.constant 0 : i32
      %dma_start3A_176 = arith.constant 0 : i32
      %dma_start3A_177 = arith.constant 0 : i32
      %dma_start3A_178 = tpu.memref_slice %arg6[%dma_start3A_175, %dma_start3A_176, %dma_start3A_177] : memref<10x128x64xf32, #tpu.memory_space<vmem>> -> memref<1x128x64xf32, #tpu.memory_space<vmem>>
      %dma_start3A_179 = tpu.memref_squeeze %dma_start3A_178 : memref<1x128x64xf32, #tpu.memory_space<vmem>> -> memref<128x64xf32, #tpu.memory_space<vmem>>
      %dma_start3A_180 = arith.constant 0 : i32
      %dma_start3A_181 = tpu.memref_slice %arg4[%add3A_174, %dma_start3A_180] : memref<819200x128xf32, #tpu.memory_space<hbm>> -> memref<128x64xf32, #tpu.memory_space<hbm>>
      %dma_start3A_182 = arith.constant 0 : i32
      %dma_start3A_183 = tpu.memref_slice %arg4[%add3A_174, %dma_start3A_182] : memref<819200x128xf32, #tpu.memory_space<hbm>> -> memref<128x64xf32, #tpu.memory_space<hbm>>
      %dma_start3A_184 = arith.constant 0 : i32
      %dma_start3A_185 = arith.constant 0 : i32
      %dma_start3A_186 = tpu.memref_slice %arg6[%dma_start3A_175, %dma_start3A_184, %dma_start3A_185] : memref<10x128x64xf32, #tpu.memory_space<vmem>> -> memref<1x128x64xf32, #tpu.memory_space<vmem>>
      %dma_start3A_187 = tpu.memref_squeeze %dma_start3A_186 : memref<1x128x64xf32, #tpu.memory_space<vmem>> -> memref<128x64xf32, #tpu.memory_space<vmem>>
      tpu.enqueue_dma source(%dma_start3A_187 : memref<128x64xf32, #tpu.memory_space<vmem>>) target(%dma_start3A_183 : memref<128x64xf32, #tpu.memory_space<hbm>>) target_semaphore(%arg17 : memref<!tpu.dma_semaphore, #tpu.memory_space<semaphore_mem>>)
      %mul3A_188 = arith.constant 10 : i32
      %mul3A_189 = arith.muli %scan3A_8, %mul3A_188 : i32
      %add3A_190 = arith.constant 1 : i32
      %add3A_191 = arith.addi %mul3A_189, %add3A_190 : i32
      %dma_wait3A_192 = arith.constant 1 : i32
      %dma_wait3A_193 = arith.constant 0 : i32
      %dma_wait3A_194 = arith.constant 0 : i32
      %dma_wait3A_195 = tpu.memref_slice %arg6[%dma_wait3A_192, %dma_wait3A_193, %dma_wait3A_194] : memref<10x128x64xf32, #tpu.memory_space<vmem>> -> memref<1x128x64xf32, #tpu.memory_space<vmem>>
      %dma_wait3A_196 = tpu.memref_squeeze %dma_wait3A_195 : memref<1x128x64xf32, #tpu.memory_space<vmem>> -> memref<128x64xf32, #tpu.memory_space<vmem>>
      %dma_wait3A_197 = arith.constant 0 : i32
      %dma_wait3A_198 = tpu.memref_slice %arg5[%add3A_26, %dma_wait3A_197] : memref<200x128xi32, #tpu.memory_space<vmem>> -> memref<1x128xi32, #tpu.memory_space<vmem>>
      %dma_wait3A_199 = tpu.memref_squeeze %dma_wait3A_198 : memref<1x128xi32, #tpu.memory_space<vmem>> -> memref<128xi32, #tpu.memory_space<vmem>>
      %dma_wait3A_200 = arith.constant 0 : i32
      %dma_wait3A_201 = arith.constant 0 : i32
      %dma_wait3A_202 = tpu.memref_slice %arg3[%dma_wait3A_200, %dma_wait3A_201] : memref<1000000x64xf32, #tpu.memory_space<hbm>> -> memref<1000000x64xf32, #tpu.memory_space<hbm>>
      tpu.wait_indirect_dma semaphore(%arg8 : memref<!tpu.dma_semaphore, #tpu.memory_space<semaphore_mem>>) src(%dma_wait3A_202 : memref<1000000x64xf32, #tpu.memory_space<hbm>>) dst(%dma_wait3A_196 : memref<128x64xf32, #tpu.memory_space<vmem>>)
      %mul3A_203 = arith.constant 128 : i32
      %mul3A_204 = arith.muli %add3A_191, %mul3A_203 : i32
      %add3A_205 = arith.addi %mul3A_2, %mul3A_204 : i32
      %dma_start3A_206 = arith.constant 1 : i32
      %dma_start3A_207 = arith.constant 0 : i32
      %dma_start3A_208 = arith.constant 0 : i32
      %dma_start3A_209 = tpu.memref_slice %arg6[%dma_start3A_206, %dma_start3A_207, %dma_start3A_208] : memref<10x128x64xf32, #tpu.memory_space<vmem>> -> memref<1x128x64xf32, #tpu.memory_space<vmem>>
      %dma_start3A_210 = tpu.memref_squeeze %dma_start3A_209 : memref<1x128x64xf32, #tpu.memory_space<vmem>> -> memref<128x64xf32, #tpu.memory_space<vmem>>
      %dma_start3A_211 = arith.constant 0 : i32
      %dma_start3A_212 = tpu.memref_slice %arg4[%add3A_205, %dma_start3A_211] : memref<819200x128xf32, #tpu.memory_space<hbm>> -> memref<128x64xf32, #tpu.memory_space<hbm>>
      %dma_start3A_213 = arith.constant 0 : i32
      %dma_start3A_214 = tpu.memref_slice %arg4[%add3A_205, %dma_start3A_213] : memref<819200x128xf32, #tpu.memory_space<hbm>> -> memref<128x64xf32, #tpu.memory_space<hbm>>
      %dma_start3A_215 = arith.constant 0 : i32
      %dma_start3A_216 = arith.constant 0 : i32
      %dma_start3A_217 = tpu.memref_slice %arg6[%dma_start3A_206, %dma_start3A_215, %dma_start3A_216] : memref<10x128x64xf32, #tpu.memory_space<vmem>> -> memref<1x128x64xf32, #tpu.memory_space<vmem>>
      %dma_start3A_218 = tpu.memref_squeeze %dma_start3A_217 : memref<1x128x64xf32, #tpu.memory_space<vmem>> -> memref<128x64xf32, #tpu.memory_space<vmem>>
      tpu.enqueue_dma source(%dma_start3A_218 : memref<128x64xf32, #tpu.memory_space<vmem>>) target(%dma_start3A_214 : memref<128x64xf32, #tpu.memory_space<hbm>>) target_semaphore(%arg18 : memref<!tpu.dma_semaphore, #tpu.memory_space<semaphore_mem>>)
      %mul3A_219 = arith.constant 10 : i32
      %mul3A_220 = arith.muli %scan3A_8, %mul3A_219 : i32
      %add3A_221 = arith.constant 2 : i32
      %add3A_222 = arith.addi %mul3A_220, %add3A_221 : i32
      %dma_wait3A_223 = arith.constant 2 : i32
      %dma_wait3A_224 = arith.constant 0 : i32
      %dma_wait3A_225 = arith.constant 0 : i32
      %dma_wait3A_226 = tpu.memref_slice %arg6[%dma_wait3A_223, %dma_wait3A_224, %dma_wait3A_225] : memref<10x128x64xf32, #tpu.memory_space<vmem>> -> memref<1x128x64xf32, #tpu.memory_space<vmem>>
      %dma_wait3A_227 = tpu.memref_squeeze %dma_wait3A_226 : memref<1x128x64xf32, #tpu.memory_space<vmem>> -> memref<128x64xf32, #tpu.memory_space<vmem>>
      %dma_wait3A_228 = arith.constant 0 : i32
      %dma_wait3A_229 = tpu.memref_slice %arg5[%add3A_41, %dma_wait3A_228] : memref<200x128xi32, #tpu.memory_space<vmem>> -> memref<1x128xi32, #tpu.memory_space<vmem>>
      %dma_wait3A_230 = tpu.memref_squeeze %dma_wait3A_229 : memref<1x128xi32, #tpu.memory_space<vmem>> -> memref<128xi32, #tpu.memory_space<vmem>>
      %dma_wait3A_231 = arith.constant 0 : i32
      %dma_wait3A_232 = arith.constant 0 : i32
      %dma_wait3A_233 = tpu.memref_slice %arg3[%dma_wait3A_231, %dma_wait3A_232] : memref<1000000x64xf32, #tpu.memory_space<hbm>> -> memref<1000000x64xf32, #tpu.memory_space<hbm>>
      tpu.wait_indirect_dma semaphore(%arg9 : memref<!tpu.dma_semaphore, #tpu.memory_space<semaphore_mem>>) src(%dma_wait3A_233 : memref<1000000x64xf32, #tpu.memory_space<hbm>>) dst(%dma_wait3A_227 : memref<128x64xf32, #tpu.memory_space<vmem>>)
      %mul3A_234 = arith.constant 128 : i32
      %mul3A_235 = arith.muli %add3A_222, %mul3A_234 : i32
      %add3A_236 = arith.addi %mul3A_2, %mul3A_235 : i32
      %dma_start3A_237 = arith.constant 2 : i32
      %dma_start3A_238 = arith.constant 0 : i32
      %dma_start3A_239 = arith.constant 0 : i32
      %dma_start3A_240 = tpu.memref_slice %arg6[%dma_start3A_237, %dma_start3A_238, %dma_start3A_239] : memref<10x128x64xf32, #tpu.memory_space<vmem>> -> memref<1x128x64xf32, #tpu.memory_space<vmem>>
      %dma_start3A_241 = tpu.memref_squeeze %dma_start3A_240 : memref<1x128x64xf32, #tpu.memory_space<vmem>> -> memref<128x64xf32, #tpu.memory_space<vmem>>
      %dma_start3A_242 = arith.constant 0 : i32
      %dma_start3A_243 = tpu.memref_slice %arg4[%add3A_236, %dma_start3A_242] : memref<819200x128xf32, #tpu.memory_space<hbm>> -> memref<128x64xf32, #tpu.memory_space<hbm>>
      %dma_start3A_244 = arith.constant 0 : i32
      %dma_start3A_245 = tpu.memref_slice %arg4[%add3A_236, %dma_start3A_244] : memref<819200x128xf32, #tpu.memory_space<hbm>> -> memref<128x64xf32, #tpu.memory_space<hbm>>
      %dma_start3A_246 = arith.constant 0 : i32
      %dma_start3A_247 = arith.constant 0 : i32
      %dma_start3A_248 = tpu.memref_slice %arg6[%dma_start3A_237, %dma_start3A_246, %dma_start3A_247] : memref<10x128x64xf32, #tpu.memory_space<vmem>> -> memref<1x128x64xf32, #tpu.memory_space<vmem>>
      %dma_start3A_249 = tpu.memref_squeeze %dma_start3A_248 : memref<1x128x64xf32, #tpu.memory_space<vmem>> -> memref<128x64xf32, #tpu.memory_space<vmem>>
      tpu.enqueue_dma source(%dma_start3A_249 : memref<128x64xf32, #tpu.memory_space<vmem>>) target(%dma_start3A_245 : memref<128x64xf32, #tpu.memory_space<hbm>>) target_semaphore(%arg19 : memref<!tpu.dma_semaphore, #tpu.memory_space<semaphore_mem>>)
      %mul3A_250 = arith.constant 10 : i32
      %mul3A_251 = arith.muli %scan3A_8, %mul3A_250 : i32
      %add3A_252 = arith.constant 3 : i32
      %add3A_253 = arith.addi %mul3A_251, %add3A_252 : i32
      %dma_wait3A_254 = arith.constant 3 : i32
      %dma_wait3A_255 = arith.constant 0 : i32
      %dma_wait3A_256 = arith.constant 0 : i32
      %dma_wait3A_257 = tpu.memref_slice %arg6[%dma_wait3A_254, %dma_wait3A_255, %dma_wait3A_256] : memref<10x128x64xf32, #tpu.memory_space<vmem>> -> memref<1x128x64xf32, #tpu.memory_space<vmem>>
      %dma_wait3A_258 = tpu.memref_squeeze %dma_wait3A_257 : memref<1x128x64xf32, #tpu.memory_space<vmem>> -> memref<128x64xf32, #tpu.memory_space<vmem>>
      %dma_wait3A_259 = arith.constant 0 : i32
      %dma_wait3A_260 = tpu.memref_slice %arg5[%add3A_56, %dma_wait3A_259] : memref<200x128xi32, #tpu.memory_space<vmem>> -> memref<1x128xi32, #tpu.memory_space<vmem>>
      %dma_wait3A_261 = tpu.memref_squeeze %dma_wait3A_260 : memref<1x128xi32, #tpu.memory_space<vmem>> -> memref<128xi32, #tpu.memory_space<vmem>>
      %dma_wait3A_262 = arith.constant 0 : i32
      %dma_wait3A_263 = arith.constant 0 : i32
      %dma_wait3A_264 = tpu.memref_slice %arg3[%dma_wait3A_262, %dma_wait3A_263] : memref<1000000x64xf32, #tpu.memory_space<hbm>> -> memref<1000000x64xf32, #tpu.memory_space<hbm>>
      tpu.wait_indirect_dma semaphore(%arg10 : memref<!tpu.dma_semaphore, #tpu.memory_space<semaphore_mem>>) src(%dma_wait3A_264 : memref<1000000x64xf32, #tpu.memory_space<hbm>>) dst(%dma_wait3A_258 : memref<128x64xf32, #tpu.memory_space<vmem>>)
      %mul3A_265 = arith.constant 128 : i32
      %mul3A_266 = arith.muli %add3A_253, %mul3A_265 : i32
      %add3A_267 = arith.addi %mul3A_2, %mul3A_266 : i32
      %dma_start3A_268 = arith.constant 3 : i32
      %dma_start3A_269 = arith.constant 0 : i32
      %dma_start3A_270 = arith.constant 0 : i32
      %dma_start3A_271 = tpu.memref_slice %arg6[%dma_start3A_268, %dma_start3A_269, %dma_start3A_270] : memref<10x128x64xf32, #tpu.memory_space<vmem>> -> memref<1x128x64xf32, #tpu.memory_space<vmem>>
      %dma_start3A_272 = tpu.memref_squeeze %dma_start3A_271 : memref<1x128x64xf32, #tpu.memory_space<vmem>> -> memref<128x64xf32, #tpu.memory_space<vmem>>
      %dma_start3A_273 = arith.constant 0 : i32
      %dma_start3A_274 = tpu.memref_slice %arg4[%add3A_267, %dma_start3A_273] : memref<819200x128xf32, #tpu.memory_space<hbm>> -> memref<128x64xf32, #tpu.memory_space<hbm>>
      %dma_start3A_275 = arith.constant 0 : i32
      %dma_start3A_276 = tpu.memref_slice %arg4[%add3A_267, %dma_start3A_275] : memref<819200x128xf32, #tpu.memory_space<hbm>> -> memref<128x64xf32, #tpu.memory_space<hbm>>
      %dma_start3A_277 = arith.constant 0 : i32
      %dma_start3A_278 = arith.constant 0 : i32
      %dma_start3A_279 = tpu.memref_slice %arg6[%dma_start3A_268, %dma_start3A_277, %dma_start3A_278] : memref<10x128x64xf32, #tpu.memory_space<vmem>> -> memref<1x128x64xf32, #tpu.memory_space<vmem>>
      %dma_start3A_280 = tpu.memref_squeeze %dma_start3A_279 : memref<1x128x64xf32, #tpu.memory_space<vmem>> -> memref<128x64xf32, #tpu.memory_space<vmem>>
      tpu.enqueue_dma source(%dma_start3A_280 : memref<128x64xf32, #tpu.memory_space<vmem>>) target(%dma_start3A_276 : memref<128x64xf32, #tpu.memory_space<hbm>>) target_semaphore(%arg20 : memref<!tpu.dma_semaphore, #tpu.memory_space<semaphore_mem>>)
      %mul3A_281 = arith.constant 10 : i32
      %mul3A_282 = arith.muli %scan3A_8, %mul3A_281 : i32
      %add3A_283 = arith.constant 4 : i32
      %add3A_284 = arith.addi %mul3A_282, %add3A_283 : i32
      %dma_wait3A_285 = arith.constant 4 : i32
      %dma_wait3A_286 = arith.constant 0 : i32
      %dma_wait3A_287 = arith.constant 0 : i32
      %dma_wait3A_288 = tpu.memref_slice %arg6[%dma_wait3A_285, %dma_wait3A_286, %dma_wait3A_287] : memref<10x128x64xf32, #tpu.memory_space<vmem>> -> memref<1x128x64xf32, #tpu.memory_space<vmem>>
      %dma_wait3A_289 = tpu.memref_squeeze %dma_wait3A_288 : memref<1x128x64xf32, #tpu.memory_space<vmem>> -> memref<128x64xf32, #tpu.memory_space<vmem>>
      %dma_wait3A_290 = arith.constant 0 : i32
      %dma_wait3A_291 = tpu.memref_slice %arg5[%add3A_71, %dma_wait3A_290] : memref<200x128xi32, #tpu.memory_space<vmem>> -> memref<1x128xi32, #tpu.memory_space<vmem>>
      %dma_wait3A_292 = tpu.memref_squeeze %dma_wait3A_291 : memref<1x128xi32, #tpu.memory_space<vmem>> -> memref<128xi32, #tpu.memory_space<vmem>>
      %dma_wait3A_293 = arith.constant 0 : i32
      %dma_wait3A_294 = arith.constant 0 : i32
      %dma_wait3A_295 = tpu.memref_slice %arg3[%dma_wait3A_293, %dma_wait3A_294] : memref<1000000x64xf32, #tpu.memory_space<hbm>> -> memref<1000000x64xf32, #tpu.memory_space<hbm>>
      tpu.wait_indirect_dma semaphore(%arg11 : memref<!tpu.dma_semaphore, #tpu.memory_space<semaphore_mem>>) src(%dma_wait3A_295 : memref<1000000x64xf32, #tpu.memory_space<hbm>>) dst(%dma_wait3A_289 : memref<128x64xf32, #tpu.memory_space<vmem>>)
      %mul3A_296 = arith.constant 128 : i32
      %mul3A_297 = arith.muli %add3A_284, %mul3A_296 : i32
      %add3A_298 = arith.addi %mul3A_2, %mul3A_297 : i32
      %dma_start3A_299 = arith.constant 4 : i32
      %dma_start3A_300 = arith.constant 0 : i32
      %dma_start3A_301 = arith.constant 0 : i32
      %dma_start3A_302 = tpu.memref_slice %arg6[%dma_start3A_299, %dma_start3A_300, %dma_start3A_301] : memref<10x128x64xf32, #tpu.memory_space<vmem>> -> memref<1x128x64xf32, #tpu.memory_space<vmem>>
      %dma_start3A_303 = tpu.memref_squeeze %dma_start3A_302 : memref<1x128x64xf32, #tpu.memory_space<vmem>> -> memref<128x64xf32, #tpu.memory_space<vmem>>
      %dma_start3A_304 = arith.constant 0 : i32
      %dma_start3A_305 = tpu.memref_slice %arg4[%add3A_298, %dma_start3A_304] : memref<819200x128xf32, #tpu.memory_space<hbm>> -> memref<128x64xf32, #tpu.memory_space<hbm>>
      %dma_start3A_306 = arith.constant 0 : i32
      %dma_start3A_307 = tpu.memref_slice %arg4[%add3A_298, %dma_start3A_306] : memref<819200x128xf32, #tpu.memory_space<hbm>> -> memref<128x64xf32, #tpu.memory_space<hbm>>
      %dma_start3A_308 = arith.constant 0 : i32
      %dma_start3A_309 = arith.constant 0 : i32
      %dma_start3A_310 = tpu.memref_slice %arg6[%dma_start3A_299, %dma_start3A_308, %dma_start3A_309] : memref<10x128x64xf32, #tpu.memory_space<vmem>> -> memref<1x128x64xf32, #tpu.memory_space<vmem>>
      %dma_start3A_311 = tpu.memref_squeeze %dma_start3A_310 : memref<1x128x64xf32, #tpu.memory_space<vmem>> -> memref<128x64xf32, #tpu.memory_space<vmem>>
      tpu.enqueue_dma source(%dma_start3A_311 : memref<128x64xf32, #tpu.memory_space<vmem>>) target(%dma_start3A_307 : memref<128x64xf32, #tpu.memory_space<hbm>>) target_semaphore(%arg21 : memref<!tpu.dma_semaphore, #tpu.memory_space<semaphore_mem>>)
      %mul3A_312 = arith.constant 10 : i32
      %mul3A_313 = arith.muli %scan3A_8, %mul3A_312 : i32
      %add3A_314 = arith.constant 5 : i32
      %add3A_315 = arith.addi %mul3A_313, %add3A_314 : i32
      %dma_wait3A_316 = arith.constant 5 : i32
      %dma_wait3A_317 = arith.constant 0 : i32
      %dma_wait3A_318 = arith.constant 0 : i32
      %dma_wait3A_319 = tpu.memref_slice %arg6[%dma_wait3A_316, %dma_wait3A_317, %dma_wait3A_318] : memref<10x128x64xf32, #tpu.memory_space<vmem>> -> memref<1x128x64xf32, #tpu.memory_space<vmem>>
      %dma_wait3A_320 = tpu.memref_squeeze %dma_wait3A_319 : memref<1x128x64xf32, #tpu.memory_space<vmem>> -> memref<128x64xf32, #tpu.memory_space<vmem>>
      %dma_wait3A_321 = arith.constant 0 : i32
      %dma_wait3A_322 = tpu.memref_slice %arg5[%add3A_86, %dma_wait3A_321] : memref<200x128xi32, #tpu.memory_space<vmem>> -> memref<1x128xi32, #tpu.memory_space<vmem>>
      %dma_wait3A_323 = tpu.memref_squeeze %dma_wait3A_322 : memref<1x128xi32, #tpu.memory_space<vmem>> -> memref<128xi32, #tpu.memory_space<vmem>>
      %dma_wait3A_324 = arith.constant 0 : i32
      %dma_wait3A_325 = arith.constant 0 : i32
      %dma_wait3A_326 = tpu.memref_slice %arg3[%dma_wait3A_324, %dma_wait3A_325] : memref<1000000x64xf32, #tpu.memory_space<hbm>> -> memref<1000000x64xf32, #tpu.memory_space<hbm>>
      tpu.wait_indirect_dma semaphore(%arg12 : memref<!tpu.dma_semaphore, #tpu.memory_space<semaphore_mem>>) src(%dma_wait3A_326 : memref<1000000x64xf32, #tpu.memory_space<hbm>>) dst(%dma_wait3A_320 : memref<128x64xf32, #tpu.memory_space<vmem>>)
      %mul3A_327 = arith.constant 128 : i32
      %mul3A_328 = arith.muli %add3A_315, %mul3A_327 : i32
      %add3A_329 = arith.addi %mul3A_2, %mul3A_328 : i32
      %dma_start3A_330 = arith.constant 5 : i32
      %dma_start3A_331 = arith.constant 0 : i32
      %dma_start3A_332 = arith.constant 0 : i32
      %dma_start3A_333 = tpu.memref_slice %arg6[%dma_start3A_330, %dma_start3A_331, %dma_start3A_332] : memref<10x128x64xf32, #tpu.memory_space<vmem>> -> memref<1x128x64xf32, #tpu.memory_space<vmem>>
      %dma_start3A_334 = tpu.memref_squeeze %dma_start3A_333 : memref<1x128x64xf32, #tpu.memory_space<vmem>> -> memref<128x64xf32, #tpu.memory_space<vmem>>
      %dma_start3A_335 = arith.constant 0 : i32
      %dma_start3A_336 = tpu.memref_slice %arg4[%add3A_329, %dma_start3A_335] : memref<819200x128xf32, #tpu.memory_space<hbm>> -> memref<128x64xf32, #tpu.memory_space<hbm>>
      %dma_start3A_337 = arith.constant 0 : i32
      %dma_start3A_338 = tpu.memref_slice %arg4[%add3A_329, %dma_start3A_337] : memref<819200x128xf32, #tpu.memory_space<hbm>> -> memref<128x64xf32, #tpu.memory_space<hbm>>
      %dma_start3A_339 = arith.constant 0 : i32
      %dma_start3A_340 = arith.constant 0 : i32
      %dma_start3A_341 = tpu.memref_slice %arg6[%dma_start3A_330, %dma_start3A_339, %dma_start3A_340] : memref<10x128x64xf32, #tpu.memory_space<vmem>> -> memref<1x128x64xf32, #tpu.memory_space<vmem>>
      %dma_start3A_342 = tpu.memref_squeeze %dma_start3A_341 : memref<1x128x64xf32, #tpu.memory_space<vmem>> -> memref<128x64xf32, #tpu.memory_space<vmem>>
      tpu.enqueue_dma source(%dma_start3A_342 : memref<128x64xf32, #tpu.memory_space<vmem>>) target(%dma_start3A_338 : memref<128x64xf32, #tpu.memory_space<hbm>>) target_semaphore(%arg22 : memref<!tpu.dma_semaphore, #tpu.memory_space<semaphore_mem>>)
      %mul3A_343 = arith.constant 10 : i32
      %mul3A_344 = arith.muli %scan3A_8, %mul3A_343 : i32
      %add3A_345 = arith.constant 6 : i32
      %add3A_346 = arith.addi %mul3A_344, %add3A_345 : i32
      %dma_wait3A_347 = arith.constant 6 : i32
      %dma_wait3A_348 = arith.constant 0 : i32
      %dma_wait3A_349 = arith.constant 0 : i32
      %dma_wait3A_350 = tpu.memref_slice %arg6[%dma_wait3A_347, %dma_wait3A_348, %dma_wait3A_349] : memref<10x128x64xf32, #tpu.memory_space<vmem>> -> memref<1x128x64xf32, #tpu.memory_space<vmem>>
      %dma_wait3A_351 = tpu.memref_squeeze %dma_wait3A_350 : memref<1x128x64xf32, #tpu.memory_space<vmem>> -> memref<128x64xf32, #tpu.memory_space<vmem>>
      %dma_wait3A_352 = arith.constant 0 : i32
      %dma_wait3A_353 = tpu.memref_slice %arg5[%add3A_101, %dma_wait3A_352] : memref<200x128xi32, #tpu.memory_space<vmem>> -> memref<1x128xi32, #tpu.memory_space<vmem>>
      %dma_wait3A_354 = tpu.memref_squeeze %dma_wait3A_353 : memref<1x128xi32, #tpu.memory_space<vmem>> -> memref<128xi32, #tpu.memory_space<vmem>>
      %dma_wait3A_355 = arith.constant 0 : i32
      %dma_wait3A_356 = arith.constant 0 : i32
      %dma_wait3A_357 = tpu.memref_slice %arg3[%dma_wait3A_355, %dma_wait3A_356] : memref<1000000x64xf32, #tpu.memory_space<hbm>> -> memref<1000000x64xf32, #tpu.memory_space<hbm>>
      tpu.wait_indirect_dma semaphore(%arg13 : memref<!tpu.dma_semaphore, #tpu.memory_space<semaphore_mem>>) src(%dma_wait3A_357 : memref<1000000x64xf32, #tpu.memory_space<hbm>>) dst(%dma_wait3A_351 : memref<128x64xf32, #tpu.memory_space<vmem>>)
      %mul3A_358 = arith.constant 128 : i32
      %mul3A_359 = arith.muli %add3A_346, %mul3A_358 : i32
      %add3A_360 = arith.addi %mul3A_2, %mul3A_359 : i32
      %dma_start3A_361 = arith.constant 6 : i32
      %dma_start3A_362 = arith.constant 0 : i32
      %dma_start3A_363 = arith.constant 0 : i32
      %dma_start3A_364 = tpu.memref_slice %arg6[%dma_start3A_361, %dma_start3A_362, %dma_start3A_363] : memref<10x128x64xf32, #tpu.memory_space<vmem>> -> memref<1x128x64xf32, #tpu.memory_space<vmem>>
      %dma_start3A_365 = tpu.memref_squeeze %dma_start3A_364 : memref<1x128x64xf32, #tpu.memory_space<vmem>> -> memref<128x64xf32, #tpu.memory_space<vmem>>
      %dma_start3A_366 = arith.constant 0 : i32
      %dma_start3A_367 = tpu.memref_slice %arg4[%add3A_360, %dma_start3A_366] : memref<819200x128xf32, #tpu.memory_space<hbm>> -> memref<128x64xf32, #tpu.memory_space<hbm>>
      %dma_start3A_368 = arith.constant 0 : i32
      %dma_start3A_369 = tpu.memref_slice %arg4[%add3A_360, %dma_start3A_368] : memref<819200x128xf32, #tpu.memory_space<hbm>> -> memref<128x64xf32, #tpu.memory_space<hbm>>
      %dma_start3A_370 = arith.constant 0 : i32
      %dma_start3A_371 = arith.constant 0 : i32
      %dma_start3A_372 = tpu.memref_slice %arg6[%dma_start3A_361, %dma_start3A_370, %dma_start3A_371] : memref<10x128x64xf32, #tpu.memory_space<vmem>> -> memref<1x128x64xf32, #tpu.memory_space<vmem>>
      %dma_start3A_373 = tpu.memref_squeeze %dma_start3A_372 : memref<1x128x64xf32, #tpu.memory_space<vmem>> -> memref<128x64xf32, #tpu.memory_space<vmem>>
      tpu.enqueue_dma source(%dma_start3A_373 : memref<128x64xf32, #tpu.memory_space<vmem>>) target(%dma_start3A_369 : memref<128x64xf32, #tpu.memory_space<hbm>>) target_semaphore(%arg23 : memref<!tpu.dma_semaphore, #tpu.memory_space<semaphore_mem>>)
      %mul3A_374 = arith.constant 10 : i32
      %mul3A_375 = arith.muli %scan3A_8, %mul3A_374 : i32
      %add3A_376 = arith.constant 7 : i32
      %add3A_377 = arith.addi %mul3A_375, %add3A_376 : i32
      %dma_wait3A_378 = arith.constant 7 : i32
      %dma_wait3A_379 = arith.constant 0 : i32
      %dma_wait3A_380 = arith.constant 0 : i32
      %dma_wait3A_381 = tpu.memref_slice %arg6[%dma_wait3A_378, %dma_wait3A_379, %dma_wait3A_380] : memref<10x128x64xf32, #tpu.memory_space<vmem>> -> memref<1x128x64xf32, #tpu.memory_space<vmem>>
      %dma_wait3A_382 = tpu.memref_squeeze %dma_wait3A_381 : memref<1x128x64xf32, #tpu.memory_space<vmem>> -> memref<128x64xf32, #tpu.memory_space<vmem>>
      %dma_wait3A_383 = arith.constant 0 : i32
      %dma_wait3A_384 = tpu.memref_slice %arg5[%add3A_116, %dma_wait3A_383] : memref<200x128xi32, #tpu.memory_space<vmem>> -> memref<1x128xi32, #tpu.memory_space<vmem>>
      %dma_wait3A_385 = tpu.memref_squeeze %dma_wait3A_384 : memref<1x128xi32, #tpu.memory_space<vmem>> -> memref<128xi32, #tpu.memory_space<vmem>>
      %dma_wait3A_386 = arith.constant 0 : i32
      %dma_wait3A_387 = arith.constant 0 : i32
      %dma_wait3A_388 = tpu.memref_slice %arg3[%dma_wait3A_386, %dma_wait3A_387] : memref<1000000x64xf32, #tpu.memory_space<hbm>> -> memref<1000000x64xf32, #tpu.memory_space<hbm>>
      tpu.wait_indirect_dma semaphore(%arg14 : memref<!tpu.dma_semaphore, #tpu.memory_space<semaphore_mem>>) src(%dma_wait3A_388 : memref<1000000x64xf32, #tpu.memory_space<hbm>>) dst(%dma_wait3A_382 : memref<128x64xf32, #tpu.memory_space<vmem>>)
      %mul3A_389 = arith.constant 128 : i32
      %mul3A_390 = arith.muli %add3A_377, %mul3A_389 : i32
      %add3A_391 = arith.addi %mul3A_2, %mul3A_390 : i32
      %dma_start3A_392 = arith.constant 7 : i32
      %dma_start3A_393 = arith.constant 0 : i32
      %dma_start3A_394 = arith.constant 0 : i32
      %dma_start3A_395 = tpu.memref_slice %arg6[%dma_start3A_392, %dma_start3A_393, %dma_start3A_394] : memref<10x128x64xf32, #tpu.memory_space<vmem>> -> memref<1x128x64xf32, #tpu.memory_space<vmem>>
      %dma_start3A_396 = tpu.memref_squeeze %dma_start3A_395 : memref<1x128x64xf32, #tpu.memory_space<vmem>> -> memref<128x64xf32, #tpu.memory_space<vmem>>
      %dma_start3A_397 = arith.constant 0 : i32
      %dma_start3A_398 = tpu.memref_slice %arg4[%add3A_391, %dma_start3A_397] : memref<819200x128xf32, #tpu.memory_space<hbm>> -> memref<128x64xf32, #tpu.memory_space<hbm>>
      %dma_start3A_399 = arith.constant 0 : i32
      %dma_start3A_400 = tpu.memref_slice %arg4[%add3A_391, %dma_start3A_399] : memref<819200x128xf32, #tpu.memory_space<hbm>> -> memref<128x64xf32, #tpu.memory_space<hbm>>
      %dma_start3A_401 = arith.constant 0 : i32
      %dma_start3A_402 = arith.constant 0 : i32
      %dma_start3A_403 = tpu.memref_slice %arg6[%dma_start3A_392, %dma_start3A_401, %dma_start3A_402] : memref<10x128x64xf32, #tpu.memory_space<vmem>> -> memref<1x128x64xf32, #tpu.memory_space<vmem>>
      %dma_start3A_404 = tpu.memref_squeeze %dma_start3A_403 : memref<1x128x64xf32, #tpu.memory_space<vmem>> -> memref<128x64xf32, #tpu.memory_space<vmem>>
      tpu.enqueue_dma source(%dma_start3A_404 : memref<128x64xf32, #tpu.memory_space<vmem>>) target(%dma_start3A_400 : memref<128x64xf32, #tpu.memory_space<hbm>>) target_semaphore(%arg24 : memref<!tpu.dma_semaphore, #tpu.memory_space<semaphore_mem>>)
      %mul3A_405 = arith.constant 10 : i32
      %mul3A_406 = arith.muli %scan3A_8, %mul3A_405 : i32
      %add3A_407 = arith.constant 8 : i32
      %add3A_408 = arith.addi %mul3A_406, %add3A_407 : i32
      %dma_wait3A_409 = arith.constant 8 : i32
      %dma_wait3A_410 = arith.constant 0 : i32
      %dma_wait3A_411 = arith.constant 0 : i32
      %dma_wait3A_412 = tpu.memref_slice %arg6[%dma_wait3A_409, %dma_wait3A_410, %dma_wait3A_411] : memref<10x128x64xf32, #tpu.memory_space<vmem>> -> memref<1x128x64xf32, #tpu.memory_space<vmem>>
      %dma_wait3A_413 = tpu.memref_squeeze %dma_wait3A_412 : memref<1x128x64xf32, #tpu.memory_space<vmem>> -> memref<128x64xf32, #tpu.memory_space<vmem>>
      %dma_wait3A_414 = arith.constant 0 : i32
      %dma_wait3A_415 = tpu.memref_slice %arg5[%add3A_131, %dma_wait3A_414] : memref<200x128xi32, #tpu.memory_space<vmem>> -> memref<1x128xi32, #tpu.memory_space<vmem>>
      %dma_wait3A_416 = tpu.memref_squeeze %dma_wait3A_415 : memref<1x128xi32, #tpu.memory_space<vmem>> -> memref<128xi32, #tpu.memory_space<vmem>>
      %dma_wait3A_417 = arith.constant 0 : i32
      %dma_wait3A_418 = arith.constant 0 : i32
      %dma_wait3A_419 = tpu.memref_slice %arg3[%dma_wait3A_417, %dma_wait3A_418] : memref<1000000x64xf32, #tpu.memory_space<hbm>> -> memref<1000000x64xf32, #tpu.memory_space<hbm>>
      tpu.wait_indirect_dma semaphore(%arg15 : memref<!tpu.dma_semaphore, #tpu.memory_space<semaphore_mem>>) src(%dma_wait3A_419 : memref<1000000x64xf32, #tpu.memory_space<hbm>>) dst(%dma_wait3A_413 : memref<128x64xf32, #tpu.memory_space<vmem>>)
      %mul3A_420 = arith.constant 128 : i32
      %mul3A_421 = arith.muli %add3A_408, %mul3A_420 : i32
      %add3A_422 = arith.addi %mul3A_2, %mul3A_421 : i32
      %dma_start3A_423 = arith.constant 8 : i32
      %dma_start3A_424 = arith.constant 0 : i32
      %dma_start3A_425 = arith.constant 0 : i32
      %dma_start3A_426 = tpu.memref_slice %arg6[%dma_start3A_423, %dma_start3A_424, %dma_start3A_425] : memref<10x128x64xf32, #tpu.memory_space<vmem>> -> memref<1x128x64xf32, #tpu.memory_space<vmem>>
      %dma_start3A_427 = tpu.memref_squeeze %dma_start3A_426 : memref<1x128x64xf32, #tpu.memory_space<vmem>> -> memref<128x64xf32, #tpu.memory_space<vmem>>
      %dma_start3A_428 = arith.constant 0 : i32
      %dma_start3A_429 = tpu.memref_slice %arg4[%add3A_422, %dma_start3A_428] : memref<819200x128xf32, #tpu.memory_space<hbm>> -> memref<128x64xf32, #tpu.memory_space<hbm>>
      %dma_start3A_430 = arith.constant 0 : i32
      %dma_start3A_431 = tpu.memref_slice %arg4[%add3A_422, %dma_start3A_430] : memref<819200x128xf32, #tpu.memory_space<hbm>> -> memref<128x64xf32, #tpu.memory_space<hbm>>
      %dma_start3A_432 = arith.constant 0 : i32
      %dma_start3A_433 = arith.constant 0 : i32
      %dma_start3A_434 = tpu.memref_slice %arg6[%dma_start3A_423, %dma_start3A_432, %dma_start3A_433] : memref<10x128x64xf32, #tpu.memory_space<vmem>> -> memref<1x128x64xf32, #tpu.memory_space<vmem>>
      %dma_start3A_435 = tpu.memref_squeeze %dma_start3A_434 : memref<1x128x64xf32, #tpu.memory_space<vmem>> -> memref<128x64xf32, #tpu.memory_space<vmem>>
      tpu.enqueue_dma source(%dma_start3A_435 : memref<128x64xf32, #tpu.memory_space<vmem>>) target(%dma_start3A_431 : memref<128x64xf32, #tpu.memory_space<hbm>>) target_semaphore(%arg25 : memref<!tpu.dma_semaphore, #tpu.memory_space<semaphore_mem>>)
      %mul3A_436 = arith.constant 10 : i32
      %mul3A_437 = arith.muli %scan3A_8, %mul3A_436 : i32
      %add3A_438 = arith.constant 9 : i32
      %add3A_439 = arith.addi %mul3A_437, %add3A_438 : i32
      %dma_wait3A_440 = arith.constant 9 : i32
      %dma_wait3A_441 = arith.constant 0 : i32
      %dma_wait3A_442 = arith.constant 0 : i32
      %dma_wait3A_443 = tpu.memref_slice %arg6[%dma_wait3A_440, %dma_wait3A_441, %dma_wait3A_442] : memref<10x128x64xf32, #tpu.memory_space<vmem>> -> memref<1x128x64xf32, #tpu.memory_space<vmem>>
      %dma_wait3A_444 = tpu.memref_squeeze %dma_wait3A_443 : memref<1x128x64xf32, #tpu.memory_space<vmem>> -> memref<128x64xf32, #tpu.memory_space<vmem>>
      %dma_wait3A_445 = arith.constant 0 : i32
      %dma_wait3A_446 = tpu.memref_slice %arg5[%add3A_146, %dma_wait3A_445] : memref<200x128xi32, #tpu.memory_space<vmem>> -> memref<1x128xi32, #tpu.memory_space<vmem>>
      %dma_wait3A_447 = tpu.memref_squeeze %dma_wait3A_446 : memref<1x128xi32, #tpu.memory_space<vmem>> -> memref<128xi32, #tpu.memory_space<vmem>>
      %dma_wait3A_448 = arith.constant 0 : i32
      %dma_wait3A_449 = arith.constant 0 : i32
      %dma_wait3A_450 = tpu.memref_slice %arg3[%dma_wait3A_448, %dma_wait3A_449] : memref<1000000x64xf32, #tpu.memory_space<hbm>> -> memref<1000000x64xf32, #tpu.memory_space<hbm>>
      tpu.wait_indirect_dma semaphore(%arg16 : memref<!tpu.dma_semaphore, #tpu.memory_space<semaphore_mem>>) src(%dma_wait3A_450 : memref<1000000x64xf32, #tpu.memory_space<hbm>>) dst(%dma_wait3A_444 : memref<128x64xf32, #tpu.memory_space<vmem>>)
      %mul3A_451 = arith.constant 128 : i32
      %mul3A_452 = arith.muli %add3A_439, %mul3A_451 : i32
      %add3A_453 = arith.addi %mul3A_2, %mul3A_452 : i32
      %dma_start3A_454 = arith.constant 9 : i32
      %dma_start3A_455 = arith.constant 0 : i32
      %dma_start3A_456 = arith.constant 0 : i32
      %dma_start3A_457 = tpu.memref_slice %arg6[%dma_start3A_454, %dma_start3A_455, %dma_start3A_456] : memref<10x128x64xf32, #tpu.memory_space<vmem>> -> memref<1x128x64xf32, #tpu.memory_space<vmem>>
      %dma_start3A_458 = tpu.memref_squeeze %dma_start3A_457 : memref<1x128x64xf32, #tpu.memory_space<vmem>> -> memref<128x64xf32, #tpu.memory_space<vmem>>
      %dma_start3A_459 = arith.constant 0 : i32
      %dma_start3A_460 = tpu.memref_slice %arg4[%add3A_453, %dma_start3A_459] : memref<819200x128xf32, #tpu.memory_space<hbm>> -> memref<128x64xf32, #tpu.memory_space<hbm>>
      %dma_start3A_461 = arith.constant 0 : i32
      %dma_start3A_462 = tpu.memref_slice %arg4[%add3A_453, %dma_start3A_461] : memref<819200x128xf32, #tpu.memory_space<hbm>> -> memref<128x64xf32, #tpu.memory_space<hbm>>
      %dma_start3A_463 = arith.constant 0 : i32
      %dma_start3A_464 = arith.constant 0 : i32
      %dma_start3A_465 = tpu.memref_slice %arg6[%dma_start3A_454, %dma_start3A_463, %dma_start3A_464] : memref<10x128x64xf32, #tpu.memory_space<vmem>> -> memref<1x128x64xf32, #tpu.memory_space<vmem>>
      %dma_start3A_466 = tpu.memref_squeeze %dma_start3A_465 : memref<1x128x64xf32, #tpu.memory_space<vmem>> -> memref<128x64xf32, #tpu.memory_space<vmem>>
      tpu.enqueue_dma source(%dma_start3A_466 : memref<128x64xf32, #tpu.memory_space<vmem>>) target(%dma_start3A_462 : memref<128x64xf32, #tpu.memory_space<hbm>>) target_semaphore(%arg26 : memref<!tpu.dma_semaphore, #tpu.memory_space<semaphore_mem>>)
      %dma_wait3A_467 = arith.constant 0 : i32
      %dma_wait3A_468 = arith.constant 0 : i32
      %dma_wait3A_469 = arith.constant 0 : i32
      %dma_wait3A_470 = tpu.memref_slice %arg6[%dma_wait3A_467, %dma_wait3A_468, %dma_wait3A_469] : memref<10x128x64xf32, #tpu.memory_space<vmem>> -> memref<1x128x64xf32, #tpu.memory_space<vmem>>
      %dma_wait3A_471 = tpu.memref_squeeze %dma_wait3A_470 : memref<1x128x64xf32, #tpu.memory_space<vmem>> -> memref<128x64xf32, #tpu.memory_space<vmem>>
      %dma_wait3A_472 = arith.constant 0 : i32
      %dma_wait3A_473 = tpu.memref_slice %arg4[%add3A_174, %dma_wait3A_472] : memref<819200x128xf32, #tpu.memory_space<hbm>> -> memref<128x64xf32, #tpu.memory_space<hbm>>
      %dma_wait3A_474 = arith.constant 0 : i32
      %dma_wait3A_475 = tpu.memref_slice %arg4[%add3A_174, %dma_wait3A_474] : memref<819200x128xf32, #tpu.memory_space<hbm>> -> memref<128x64xf32, #tpu.memory_space<hbm>>
      %dma_wait3A_476 = arith.constant 0 : i32
      %dma_wait3A_477 = arith.constant 0 : i32
      %dma_wait3A_478 = tpu.memref_slice %arg6[%dma_wait3A_467, %dma_wait3A_476, %dma_wait3A_477] : memref<10x128x64xf32, #tpu.memory_space<vmem>> -> memref<1x128x64xf32, #tpu.memory_space<vmem>>
      %dma_wait3A_479 = tpu.memref_squeeze %dma_wait3A_478 : memref<1x128x64xf32, #tpu.memory_space<vmem>> -> memref<128x64xf32, #tpu.memory_space<vmem>>
      tpu.wait_dma2 semaphore(%arg17 : memref<!tpu.dma_semaphore, #tpu.memory_space<semaphore_mem>>) src(%dma_wait3A_479 : memref<128x64xf32, #tpu.memory_space<vmem>>) dst(%dma_wait3A_475 : memref<128x64xf32, #tpu.memory_space<hbm>>)
      %dma_wait3A_480 = arith.constant 1 : i32
      %dma_wait3A_481 = arith.constant 0 : i32
      %dma_wait3A_482 = arith.constant 0 : i32
      %dma_wait3A_483 = tpu.memref_slice %arg6[%dma_wait3A_480, %dma_wait3A_481, %dma_wait3A_482] : memref<10x128x64xf32, #tpu.memory_space<vmem>> -> memref<1x128x64xf32, #tpu.memory_space<vmem>>
      %dma_wait3A_484 = tpu.memref_squeeze %dma_wait3A_483 : memref<1x128x64xf32, #tpu.memory_space<vmem>> -> memref<128x64xf32, #tpu.memory_space<vmem>>
      %dma_wait3A_485 = arith.constant 0 : i32
      %dma_wait3A_486 = tpu.memref_slice %arg4[%add3A_205, %dma_wait3A_485] : memref<819200x128xf32, #tpu.memory_space<hbm>> -> memref<128x64xf32, #tpu.memory_space<hbm>>
      %dma_wait3A_487 = arith.constant 0 : i32
      %dma_wait3A_488 = tpu.memref_slice %arg4[%add3A_205, %dma_wait3A_487] : memref<819200x128xf32, #tpu.memory_space<hbm>> -> memref<128x64xf32, #tpu.memory_space<hbm>>
      %dma_wait3A_489 = arith.constant 0 : i32
      %dma_wait3A_490 = arith.constant 0 : i32
      %dma_wait3A_491 = tpu.memref_slice %arg6[%dma_wait3A_480, %dma_wait3A_489, %dma_wait3A_490] : memref<10x128x64xf32, #tpu.memory_space<vmem>> -> memref<1x128x64xf32, #tpu.memory_space<vmem>>
      %dma_wait3A_492 = tpu.memref_squeeze %dma_wait3A_491 : memref<1x128x64xf32, #tpu.memory_space<vmem>> -> memref<128x64xf32, #tpu.memory_space<vmem>>
      tpu.wait_dma2 semaphore(%arg18 : memref<!tpu.dma_semaphore, #tpu.memory_space<semaphore_mem>>) src(%dma_wait3A_492 : memref<128x64xf32, #tpu.memory_space<vmem>>) dst(%dma_wait3A_488 : memref<128x64xf32, #tpu.memory_space<hbm>>)
      %dma_wait3A_493 = arith.constant 2 : i32
      %dma_wait3A_494 = arith.constant 0 : i32
      %dma_wait3A_495 = arith.constant 0 : i32
      %dma_wait3A_496 = tpu.memref_slice %arg6[%dma_wait3A_493, %dma_wait3A_494, %dma_wait3A_495] : memref<10x128x64xf32, #tpu.memory_space<vmem>> -> memref<1x128x64xf32, #tpu.memory_space<vmem>>
      %dma_wait3A_497 = tpu.memref_squeeze %dma_wait3A_496 : memref<1x128x64xf32, #tpu.memory_space<vmem>> -> memref<128x64xf32, #tpu.memory_space<vmem>>
      %dma_wait3A_498 = arith.constant 0 : i32
      %dma_wait3A_499 = tpu.memref_slice %arg4[%add3A_236, %dma_wait3A_498] : memref<819200x128xf32, #tpu.memory_space<hbm>> -> memref<128x64xf32, #tpu.memory_space<hbm>>
      %dma_wait3A_500 = arith.constant 0 : i32
      %dma_wait3A_501 = tpu.memref_slice %arg4[%add3A_236, %dma_wait3A_500] : memref<819200x128xf32, #tpu.memory_space<hbm>> -> memref<128x64xf32, #tpu.memory_space<hbm>>
      %dma_wait3A_502 = arith.constant 0 : i32
      %dma_wait3A_503 = arith.constant 0 : i32
      %dma_wait3A_504 = tpu.memref_slice %arg6[%dma_wait3A_493, %dma_wait3A_502, %dma_wait3A_503] : memref<10x128x64xf32, #tpu.memory_space<vmem>> -> memref<1x128x64xf32, #tpu.memory_space<vmem>>
      %dma_wait3A_505 = tpu.memref_squeeze %dma_wait3A_504 : memref<1x128x64xf32, #tpu.memory_space<vmem>> -> memref<128x64xf32, #tpu.memory_space<vmem>>
      tpu.wait_dma2 semaphore(%arg19 : memref<!tpu.dma_semaphore, #tpu.memory_space<semaphore_mem>>) src(%dma_wait3A_505 : memref<128x64xf32, #tpu.memory_space<vmem>>) dst(%dma_wait3A_501 : memref<128x64xf32, #tpu.memory_space<hbm>>)
      %dma_wait3A_506 = arith.constant 3 : i32
      %dma_wait3A_507 = arith.constant 0 : i32
      %dma_wait3A_508 = arith.constant 0 : i32
      %dma_wait3A_509 = tpu.memref_slice %arg6[%dma_wait3A_506, %dma_wait3A_507, %dma_wait3A_508] : memref<10x128x64xf32, #tpu.memory_space<vmem>> -> memref<1x128x64xf32, #tpu.memory_space<vmem>>
      %dma_wait3A_510 = tpu.memref_squeeze %dma_wait3A_509 : memref<1x128x64xf32, #tpu.memory_space<vmem>> -> memref<128x64xf32, #tpu.memory_space<vmem>>
      %dma_wait3A_511 = arith.constant 0 : i32
      %dma_wait3A_512 = tpu.memref_slice %arg4[%add3A_267, %dma_wait3A_511] : memref<819200x128xf32, #tpu.memory_space<hbm>> -> memref<128x64xf32, #tpu.memory_space<hbm>>
      %dma_wait3A_513 = arith.constant 0 : i32
      %dma_wait3A_514 = tpu.memref_slice %arg4[%add3A_267, %dma_wait3A_513] : memref<819200x128xf32, #tpu.memory_space<hbm>> -> memref<128x64xf32, #tpu.memory_space<hbm>>
      %dma_wait3A_515 = arith.constant 0 : i32
      %dma_wait3A_516 = arith.constant 0 : i32
      %dma_wait3A_517 = tpu.memref_slice %arg6[%dma_wait3A_506, %dma_wait3A_515, %dma_wait3A_516] : memref<10x128x64xf32, #tpu.memory_space<vmem>> -> memref<1x128x64xf32, #tpu.memory_space<vmem>>
      %dma_wait3A_518 = tpu.memref_squeeze %dma_wait3A_517 : memref<1x128x64xf32, #tpu.memory_space<vmem>> -> memref<128x64xf32, #tpu.memory_space<vmem>>
      tpu.wait_dma2 semaphore(%arg20 : memref<!tpu.dma_semaphore, #tpu.memory_space<semaphore_mem>>) src(%dma_wait3A_518 : memref<128x64xf32, #tpu.memory_space<vmem>>) dst(%dma_wait3A_514 : memref<128x64xf32, #tpu.memory_space<hbm>>)
      %dma_wait3A_519 = arith.constant 4 : i32
      %dma_wait3A_520 = arith.constant 0 : i32
      %dma_wait3A_521 = arith.constant 0 : i32
      %dma_wait3A_522 = tpu.memref_slice %arg6[%dma_wait3A_519, %dma_wait3A_520, %dma_wait3A_521] : memref<10x128x64xf32, #tpu.memory_space<vmem>> -> memref<1x128x64xf32, #tpu.memory_space<vmem>>
      %dma_wait3A_523 = tpu.memref_squeeze %dma_wait3A_522 : memref<1x128x64xf32, #tpu.memory_space<vmem>> -> memref<128x64xf32, #tpu.memory_space<vmem>>
      %dma_wait3A_524 = arith.constant 0 : i32
      %dma_wait3A_525 = tpu.memref_slice %arg4[%add3A_298, %dma_wait3A_524] : memref<819200x128xf32, #tpu.memory_space<hbm>> -> memref<128x64xf32, #tpu.memory_space<hbm>>
      %dma_wait3A_526 = arith.constant 0 : i32
      %dma_wait3A_527 = tpu.memref_slice %arg4[%add3A_298, %dma_wait3A_526] : memref<819200x128xf32, #tpu.memory_space<hbm>> -> memref<128x64xf32, #tpu.memory_space<hbm>>
      %dma_wait3A_528 = arith.constant 0 : i32
      %dma_wait3A_529 = arith.constant 0 : i32
      %dma_wait3A_530 = tpu.memref_slice %arg6[%dma_wait3A_519, %dma_wait3A_528, %dma_wait3A_529] : memref<10x128x64xf32, #tpu.memory_space<vmem>> -> memref<1x128x64xf32, #tpu.memory_space<vmem>>
      %dma_wait3A_531 = tpu.memref_squeeze %dma_wait3A_530 : memref<1x128x64xf32, #tpu.memory_space<vmem>> -> memref<128x64xf32, #tpu.memory_space<vmem>>
      tpu.wait_dma2 semaphore(%arg21 : memref<!tpu.dma_semaphore, #tpu.memory_space<semaphore_mem>>) src(%dma_wait3A_531 : memref<128x64xf32, #tpu.memory_space<vmem>>) dst(%dma_wait3A_527 : memref<128x64xf32, #tpu.memory_space<hbm>>)
      %dma_wait3A_532 = arith.constant 5 : i32
      %dma_wait3A_533 = arith.constant 0 : i32
      %dma_wait3A_534 = arith.constant 0 : i32
      %dma_wait3A_535 = tpu.memref_slice %arg6[%dma_wait3A_532, %dma_wait3A_533, %dma_wait3A_534] : memref<10x128x64xf32, #tpu.memory_space<vmem>> -> memref<1x128x64xf32, #tpu.memory_space<vmem>>
      %dma_wait3A_536 = tpu.memref_squeeze %dma_wait3A_535 : memref<1x128x64xf32, #tpu.memory_space<vmem>> -> memref<128x64xf32, #tpu.memory_space<vmem>>
      %dma_wait3A_537 = arith.constant 0 : i32
      %dma_wait3A_538 = tpu.memref_slice %arg4[%add3A_329, %dma_wait3A_537] : memref<819200x128xf32, #tpu.memory_space<hbm>> -> memref<128x64xf32, #tpu.memory_space<hbm>>
      %dma_wait3A_539 = arith.constant 0 : i32
      %dma_wait3A_540 = tpu.memref_slice %arg4[%add3A_329, %dma_wait3A_539] : memref<819200x128xf32, #tpu.memory_space<hbm>> -> memref<128x64xf32, #tpu.memory_space<hbm>>
      %dma_wait3A_541 = arith.constant 0 : i32
      %dma_wait3A_542 = arith.constant 0 : i32
      %dma_wait3A_543 = tpu.memref_slice %arg6[%dma_wait3A_532, %dma_wait3A_541, %dma_wait3A_542] : memref<10x128x64xf32, #tpu.memory_space<vmem>> -> memref<1x128x64xf32, #tpu.memory_space<vmem>>
      %dma_wait3A_544 = tpu.memref_squeeze %dma_wait3A_543 : memref<1x128x64xf32, #tpu.memory_space<vmem>> -> memref<128x64xf32, #tpu.memory_space<vmem>>
      tpu.wait_dma2 semaphore(%arg22 : memref<!tpu.dma_semaphore, #tpu.memory_space<semaphore_mem>>) src(%dma_wait3A_544 : memref<128x64xf32, #tpu.memory_space<vmem>>) dst(%dma_wait3A_540 : memref<128x64xf32, #tpu.memory_space<hbm>>)
      %dma_wait3A_545 = arith.constant 6 : i32
      %dma_wait3A_546 = arith.constant 0 : i32
      %dma_wait3A_547 = arith.constant 0 : i32
      %dma_wait3A_548 = tpu.memref_slice %arg6[%dma_wait3A_545, %dma_wait3A_546, %dma_wait3A_547] : memref<10x128x64xf32, #tpu.memory_space<vmem>> -> memref<1x128x64xf32, #tpu.memory_space<vmem>>
      %dma_wait3A_549 = tpu.memref_squeeze %dma_wait3A_548 : memref<1x128x64xf32, #tpu.memory_space<vmem>> -> memref<128x64xf32, #tpu.memory_space<vmem>>
      %dma_wait3A_550 = arith.constant 0 : i32
      %dma_wait3A_551 = tpu.memref_slice %arg4[%add3A_360, %dma_wait3A_550] : memref<819200x128xf32, #tpu.memory_space<hbm>> -> memref<128x64xf32, #tpu.memory_space<hbm>>
      %dma_wait3A_552 = arith.constant 0 : i32
      %dma_wait3A_553 = tpu.memref_slice %arg4[%add3A_360, %dma_wait3A_552] : memref<819200x128xf32, #tpu.memory_space<hbm>> -> memref<128x64xf32, #tpu.memory_space<hbm>>
      %dma_wait3A_554 = arith.constant 0 : i32
      %dma_wait3A_555 = arith.constant 0 : i32
      %dma_wait3A_556 = tpu.memref_slice %arg6[%dma_wait3A_545, %dma_wait3A_554, %dma_wait3A_555] : memref<10x128x64xf32, #tpu.memory_space<vmem>> -> memref<1x128x64xf32, #tpu.memory_space<vmem>>
      %dma_wait3A_557 = tpu.memref_squeeze %dma_wait3A_556 : memref<1x128x64xf32, #tpu.memory_space<vmem>> -> memref<128x64xf32, #tpu.memory_space<vmem>>
      tpu.wait_dma2 semaphore(%arg23 : memref<!tpu.dma_semaphore, #tpu.memory_space<semaphore_mem>>) src(%dma_wait3A_557 : memref<128x64xf32, #tpu.memory_space<vmem>>) dst(%dma_wait3A_553 : memref<128x64xf32, #tpu.memory_space<hbm>>)
      %dma_wait3A_558 = arith.constant 7 : i32
      %dma_wait3A_559 = arith.constant 0 : i32
      %dma_wait3A_560 = arith.constant 0 : i32
      %dma_wait3A_561 = tpu.memref_slice %arg6[%dma_wait3A_558, %dma_wait3A_559, %dma_wait3A_560] : memref<10x128x64xf32, #tpu.memory_space<vmem>> -> memref<1x128x64xf32, #tpu.memory_space<vmem>>
      %dma_wait3A_562 = tpu.memref_squeeze %dma_wait3A_561 : memref<1x128x64xf32, #tpu.memory_space<vmem>> -> memref<128x64xf32, #tpu.memory_space<vmem>>
      %dma_wait3A_563 = arith.constant 0 : i32
      %dma_wait3A_564 = tpu.memref_slice %arg4[%add3A_391, %dma_wait3A_563] : memref<819200x128xf32, #tpu.memory_space<hbm>> -> memref<128x64xf32, #tpu.memory_space<hbm>>
      %dma_wait3A_565 = arith.constant 0 : i32
      %dma_wait3A_566 = tpu.memref_slice %arg4[%add3A_391, %dma_wait3A_565] : memref<819200x128xf32, #tpu.memory_space<hbm>> -> memref<128x64xf32, #tpu.memory_space<hbm>>
      %dma_wait3A_567 = arith.constant 0 : i32
      %dma_wait3A_568 = arith.constant 0 : i32
      %dma_wait3A_569 = tpu.memref_slice %arg6[%dma_wait3A_558, %dma_wait3A_567, %dma_wait3A_568] : memref<10x128x64xf32, #tpu.memory_space<vmem>> -> memref<1x128x64xf32, #tpu.memory_space<vmem>>
      %dma_wait3A_570 = tpu.memref_squeeze %dma_wait3A_569 : memref<1x128x64xf32, #tpu.memory_space<vmem>> -> memref<128x64xf32, #tpu.memory_space<vmem>>
      tpu.wait_dma2 semaphore(%arg24 : memref<!tpu.dma_semaphore, #tpu.memory_space<semaphore_mem>>) src(%dma_wait3A_570 : memref<128x64xf32, #tpu.memory_space<vmem>>) dst(%dma_wait3A_566 : memref<128x64xf32, #tpu.memory_space<hbm>>)
      %dma_wait3A_571 = arith.constant 8 : i32
      %dma_wait3A_572 = arith.constant 0 : i32
      %dma_wait3A_573 = arith.constant 0 : i32
      %dma_wait3A_574 = tpu.memref_slice %arg6[%dma_wait3A_571, %dma_wait3A_572, %dma_wait3A_573] : memref<10x128x64xf32, #tpu.memory_space<vmem>> -> memref<1x128x64xf32, #tpu.memory_space<vmem>>
      %dma_wait3A_575 = tpu.memref_squeeze %dma_wait3A_574 : memref<1x128x64xf32, #tpu.memory_space<vmem>> -> memref<128x64xf32, #tpu.memory_space<vmem>>
      %dma_wait3A_576 = arith.constant 0 : i32
      %dma_wait3A_577 = tpu.memref_slice %arg4[%add3A_422, %dma_wait3A_576] : memref<819200x128xf32, #tpu.memory_space<hbm>> -> memref<128x64xf32, #tpu.memory_space<hbm>>
      %dma_wait3A_578 = arith.constant 0 : i32
      %dma_wait3A_579 = tpu.memref_slice %arg4[%add3A_422, %dma_wait3A_578] : memref<819200x128xf32, #tpu.memory_space<hbm>> -> memref<128x64xf32, #tpu.memory_space<hbm>>
      %dma_wait3A_580 = arith.constant 0 : i32
      %dma_wait3A_581 = arith.constant 0 : i32
      %dma_wait3A_582 = tpu.memref_slice %arg6[%dma_wait3A_571, %dma_wait3A_580, %dma_wait3A_581] : memref<10x128x64xf32, #tpu.memory_space<vmem>> -> memref<1x128x64xf32, #tpu.memory_space<vmem>>
      %dma_wait3A_583 = tpu.memref_squeeze %dma_wait3A_582 : memref<1x128x64xf32, #tpu.memory_space<vmem>> -> memref<128x64xf32, #tpu.memory_space<vmem>>
      tpu.wait_dma2 semaphore(%arg25 : memref<!tpu.dma_semaphore, #tpu.memory_space<semaphore_mem>>) src(%dma_wait3A_583 : memref<128x64xf32, #tpu.memory_space<vmem>>) dst(%dma_wait3A_579 : memref<128x64xf32, #tpu.memory_space<hbm>>)
      %dma_wait3A_584 = arith.constant 9 : i32
      %dma_wait3A_585 = arith.constant 0 : i32
      %dma_wait3A_586 = arith.constant 0 : i32
      %dma_wait3A_587 = tpu.memref_slice %arg6[%dma_wait3A_584, %dma_wait3A_585, %dma_wait3A_586] : memref<10x128x64xf32, #tpu.memory_space<vmem>> -> memref<1x128x64xf32, #tpu.memory_space<vmem>>
      %dma_wait3A_588 = tpu.memref_squeeze %dma_wait3A_587 : memref<1x128x64xf32, #tpu.memory_space<vmem>> -> memref<128x64xf32, #tpu.memory_space<vmem>>
      %dma_wait3A_589 = arith.constant 0 : i32
      %dma_wait3A_590 = tpu.memref_slice %arg4[%add3A_453, %dma_wait3A_589] : memref<819200x128xf32, #tpu.memory_space<hbm>> -> memref<128x64xf32, #tpu.memory_space<hbm>>
      %dma_wait3A_591 = arith.constant 0 : i32
      %dma_wait3A_592 = tpu.memref_slice %arg4[%add3A_453, %dma_wait3A_591] : memref<819200x128xf32, #tpu.memory_space<hbm>> -> memref<128x64xf32, #tpu.memory_space<hbm>>
      %dma_wait3A_593 = arith.constant 0 : i32
      %dma_wait3A_594 = arith.constant 0 : i32
      %dma_wait3A_595 = tpu.memref_slice %arg6[%dma_wait3A_584, %dma_wait3A_593, %dma_wait3A_594] : memref<10x128x64xf32, #tpu.memory_space<vmem>> -> memref<1x128x64xf32, #tpu.memory_space<vmem>>
      %dma_wait3A_596 = tpu.memref_squeeze %dma_wait3A_595 : memref<1x128x64xf32, #tpu.memory_space<vmem>> -> memref<128x64xf32, #tpu.memory_space<vmem>>
      tpu.wait_dma2 semaphore(%arg26 : memref<!tpu.dma_semaphore, #tpu.memory_space<semaphore_mem>>) src(%dma_wait3A_596 : memref<128x64xf32, #tpu.memory_space<vmem>>) dst(%dma_wait3A_592 : memref<128x64xf32, #tpu.memory_space<hbm>>)
    }
    %scan3A_7 = arith.constant 20 : i32
    return
  }
}

</mosaic_0001>

<sc_bundles>
// kernel: kernel.3.cloned.1.call-start
scs
__scs_entry_jumppad:
0x0: {  	(pc) =	sbr.rel $0x88, $3  }
0x1: {  	(tag) =	ssettag $0x0;
	lr =	simm.s32 $0x1  }
0x2: {  	[smem:$0x3F9F] =	sst lr;
	_ =	strace $0xD0000000  }
0x3: {  	_ = 	snop  }
0x4: {  	_ = 	snop  }
0x5: {  	_ = 	snop  }
0x6: {  	_ = 	snop  }
0x7: {  	_ = 	snop  }
__scs_overlays_trampoline_lowered:
0x8: {  	[smem:$0x3FAE] =	sst s0  }
0x9: {  	[smem:$0x3FAF] =	sst s1  }
0xa: {  	[smem:$0x3FB0] =	sst s2  }
0xb: {  	[smem:$0x3FB1] =	sst s3  }
0xc: {  	[smem:$0x3FB2] =	sst s4  }
0xd: {  	[smem:$0x3FB3] =	sst s5  }
0xe: {  	[smem:$0x3FB4] =	sst s6  }
0xf: {  	[smem:$0x3FB5] =	sst s7  }
0x10: {  	[smem:$0x3FB6] =	sst s8  }
0x11: {  	[smem:$0x3FB7] =	sst s9;
	s0 =	simm.s32 @!p0 $0x0  }
0x12: {  	s1 =	sld [smem:$0x3F9D];
	s0 =	simm.s32 @p0 $0x1  }
0x13: {  	[smem:$0x3FB8] =	sst s0;
	s0 =	simm.s32 @!p1 $0x0  }
0x14: {  	s2 =	sld [smem:$0x3F9C];
	s0 =	simm.s32 @p1 $0x1  }
0x15: {  	[smem:$0x3FB9] =	sst s0;
	s0 =	simm.s32 @!p2 $0x0  }
0x16: {  	s3 =	sld [smem:$0x3FDB];
	s0 =	simm.s32 @p2 $0x1  }
0x17: {  	s4 =	simm.s32 $0x1BF5;
	[smem:$0x3FBB] =	sst s0  }
0x18: {  	s0 =	sld [smem:$0x3F9E];
	_ =	swait.ge [sflag:s4], $0x0  }
0x19: {  	s7 =	sld [smem:$0x3F9F]  }
0x1a: {  	s8 =	sadd.s32 $0xFFFFE003, lr  }
0x1b: {  	s9 =	sadd.s32 $0xFFFFFEF7, lr;
	s5 =	simm.s32 $0xFFFFFFFF;
	p2 =	slt.u32 s8, $0xFFFFF086  }
0x1c: {  	p1 =	slt.u32 s9, $0xF7A;
	s5 =	simm.s32 @!p2 $0x0  }
0x1d: {  	s5 =	simm.s32 @p1 $0x1;
	p0 =	seq.s32 s7, s2  }
0x1e: {  	s7 =	smul.u32 @!p0 $0xF7A, s2;
	p2 =	seq.s32 @!p0 s5, $0x0  }
0x1f: {  	s9 =	smul.u32 $0xF7A, s1;
	s8 =	simm.s32 @!p0 $0x1BF5;
	p2 =	por !p2, p0  }
0x20: {  	[sflag:s8] =	ssyncset.s32 @!p0 $0xFFFFF086;
	s6 =	sadd.s32 @!p0 s3, s7;
	s7 =	simm.s32 @!p0 $0x108  }
0x21: {  	s3 =	sadd.s32 s3, s9;
	s6 =	sadd.s32 @!p0 $0x88, s6;
	s7 =	simm.s32 @p2 $0x1082  }
0x22: {  	[simem:s7], [sflag:s8] =	dma.local @!p0 [hbm:s6], $0xF7A  }
0x23: {  	s9 =	sor.u32 $0xD0000000, s2;
	s6 =	simm.s32 $0x108;
	_ =	swait.ge @!p0 [sflag:s8], $0x0  }
0x24: {  	s3 =	sadd.s32 $0x88, s3;
	s6 =	simm.s32 @!p1 $0x1082;
	[sflag:s4] =	ssyncset.s32 $0xFFFFF086  }
0x25: {  	[simem:s6], [sflag:s4] =	dma.local [hbm:s3], $0xF7A  }
0x26: {  	[smem:$0x3F9F] =	sst s1;
	(tag) =	ssettag s2;
	_ =	strace s9  }
0x27: {  	s1 =	sld [smem:$0x3FAF]  }
0x28: {  	s2 =	sld [smem:$0x3FB0]  }
0x29: {  	s4 =	sld [smem:$0x3FB2]  }
0x2a: {  	p0 =	seq.s32 s5, $0x0;
	s5 =	sld [smem:$0x3FB3]  }
0x2b: {  	s6 =	sld [smem:$0x3FB4]  }
0x2c: {  	s7 =	sld [smem:$0x3FB5]  }
0x2d: {  	s3 =	simm.s32 $0x108;
	s8 =	sld [smem:$0x3FB6]  }
0x2e: {  	s3 =	simm.s32 @!p0 $0x1082;
	s9 =	sld [smem:$0x3FB7]  }
0x2f: {  	lr =	sadd.s32 s0, s3;
	s0 =	sld [smem:$0x3FAE]  }
0x30: {  	s3 =	sld [smem:$0x3FB1]  }
0x31: {  	[smem:$0x3FBA] =	sst s10  }
0x32: {  	s10 =	sld [smem:$0x3FB8];
	_ =	sdelay $0x3  }
0x33: {  	p0 =	seq.s32 s10, $0x1;
	s10 =	sld [smem:$0x3FBA];
	_ =	sdelay $0x3  }
0x34: {  	[smem:$0x3FBA] =	sst s10  }
0x35: {  	s10 =	sld [smem:$0x3FB9];
	_ =	sdelay $0x3  }
0x36: {  	p1 =	seq.s32 s10, $0x1;
	s10 =	sld [smem:$0x3FBA];
	_ =	sdelay $0x3  }
0x37: {  	[smem:$0x3FBA] =	sst s10  }
0x38: {  	s10 =	sld [smem:$0x3FBB]  }
0x39: {  	_ = 	snop;
	(pc) =	sbr.ind lr, $3  }
0x3a: {  	_ = 	snop  }
0x3b: {  	_ = 	snop  }
0x3c: {  	p2 =	seq.s32 s10, $0x1;
	s10 =	sld [smem:$0x3FBA]  }
0x3d: {  	_ =	shalt  }
0x3e: {  	_ =	shalt  }
0x3f: {  	_ =	shalt  }
0x40: {  	_ =	shalt  }
0x41: {  	_ =	shalt  }
0x42: {  	_ =	shalt  }
0x43: {  	_ =	shalt  }
0x44: {  	_ =	shalt  }
0x45: {  	_ =	shalt  }
0x46: {  	_ =	shalt  }
0x47: {  	_ =	shalt  }
0x48: {  	_ =	shalt  }
0x49: {  	_ =	shalt  }
0x4a: {  	_ =	shalt  }
0x4b: {  	_ =	shalt  }
0x4c: {  	_ =	shalt  }
0x4d: {  	_ =	shalt  }
0x4e: {  	_ =	shalt  }
0x4f: {  	_ =	shalt  }
0x50: {  	_ =	shalt  }
0x51: {  	_ =	shalt  }
0x52: {  	_ =	shalt  }
0x53: {  	_ =	shalt  }
0x54: {  	_ =	shalt  }
0x55: {  	_ =	shalt  }
0x56: {  	_ =	shalt  }
0x57: {  	_ =	shalt  }
0x58: {  	_ =	shalt  }
0x59: {  	_ =	shalt  }
0x5a: {  	_ =	shalt  }
0x5b: {  	_ =	shalt  }
0x5c: {  	_ =	shalt  }
0x5d: {  	_ =	shalt  }
0x5e: {  	_ =	shalt  }
0x5f: {  	_ =	shalt  }
0x60: {  	_ =	shalt  }
0x61: {  	_ =	shalt  }
0x62: {  	_ =	shalt  }
0x63: {  	_ =	shalt  }
0x64: {  	_ =	shalt  }
0x65: {  	_ =	shalt  }
0x66: {  	_ =	shalt  }
0x67: {  	_ =	shalt  }
0x68: {  	_ =	shalt  }
0x69: {  	_ =	shalt  }
0x6a: {  	_ =	shalt  }
0x6b: {  	_ =	shalt  }
0x6c: {  	_ =	shalt  }
0x6d: {  	_ =	shalt  }
0x6e: {  	_ =	shalt  }
0x6f: {  	_ =	shalt  }
0x70: {  	_ =	shalt  }
0x71: {  	_ =	shalt  }
0x72: {  	_ =	shalt  }
0x73: {  	_ =	shalt  }
0x74: {  	_ =	shalt  }
0x75: {  	_ =	shalt  }
0x76: {  	_ =	shalt  }
0x77: {  	_ =	shalt  }
0x78: {  	_ =	shalt  }
0x79: {  	_ =	shalt  }
0x7a: {  	_ =	shalt  }
0x7b: {  	_ =	shalt  }
0x7c: {  	_ =	shalt  }
0x7d: {  	_ =	shalt  }
0x7e: {  	_ =	shalt  }
0x7f: {  	_ =	shalt  }
0x80: {  	_ =	shalt  }
0x81: {  	_ =	shalt  }
0x82: {  	_ =	shalt  }
0x83: {  	_ =	shalt  }
0x84: {  	_ =	shalt  }
0x85: {  	_ =	shalt  }
0x86: {  	_ =	shalt  }
0x87: {  	_ =	shalt  }
.Lfunc_end0:
.L_simem_size_0:
called_computation.1_lowered:
.L_overlay_start_0:
0x88: {  	s2 =	sld [smem:$0x3FD9]  }
0x89: {  	s3 =	sld [smem:$0x3FFE];
	_ =	sdelay $0x1  }
0x8a: {  	s1 =	srdreg.scid  }
0x8b: {  	s0 =	sand.u32 $0x1, s1  }
0x8c: {  	s17 =	sshll.u32 s0, $0xA;
	s2 =	sadd.s32 s3, s2  }
0x8d: {  	s2 =	sadd.s32 s2, s17  }
0x8e: {  	[smem:$0x3FC6] =	sst s2  }
0x8f: {  	_ = 	snop  }
0x90: {  	s2 =	sld [smem:$0x3FD0];
	(tm) =	ssettm $0x1  }
0x91: {  	s18 =	sld [smem:$0x3FFB];
	_ =	sdelay $0x3  }
0x92: {  	_ =	strace s18  }
0x93: {  	s3 =	sld [smem:$0x3FFC];
	_ =	sdelay $0x3  }
0x94: {  	_ =	strace s3  }
0x95: {  	s3 =	sld [smem:$0x3FFD];
	_ =	sdelay $0x3  }
0x96: {  	_ =	strace s3  }
0x97: {  	_ =	strace $0x8FFFFFFF  }
0x98: {  	s19 =	sld [smem:$0x3FDB];
	_ =	sdelay $0x1  }
0x99: {  	s4 =	simm.s32 $_scs_section_size  }
0x9a: {  	s5 =	simm.s32 $_size__tile_overlayer_lowered;
	s6 =	simm.s32 $_tile_overlayer_lowered  }
0x9b: {  	s22 =	simm.s32 $0x1BFF;
	s21 =	sshll.u32 s6, $0x1;
	s3 =	sadd.s32 s4, s19  }
0x9c: {  	s7 =	simm.s32 $0x0;
	s20 =	sshll.u32 s5, $0x1;
	s5 =	sadd.s32 s21, s3  }
0x9d: {  	[timem:s7], [sflag:s22] =	dma.local [hbm:s5], s20  }
0x9e: {  	_ =	swait.ge [sflag:s22], s20  }
0x9f: {  	s4 =	ssub.s32 $0x0, s20;
	[sflag:s22] =	ssyncset.done $0x0  }
0xa0: {  	[sflag:s22] =	ssyncadd.s32 s4;
	_ =	sdelay $0x1  }
0xa1: {  	s23 =	simm.s32 $0x1B8B  }
0xa2: {  	_ =	swait.ge [sflag:s23], $0x1  }
0xa3: {  	[sflag:s23] =	ssyncset.done $0x0  }
0xa4: {  	s25 =	simm.s32 $0x1B8E;
	s24 =	sld [smem:$0x3FFE];
	[sflag:s23] =	ssyncadd.s32 $0xFFFFFFFF  }
0xa5: {  	s26 =	simm.s32 $execute0_lowered;
	[smem:$0x3FD2] =	sst s25  }
0xa6: {  	s5 =	sshll.u32 s26, $0x1;
	_ =	strace $0x80000046;
	[dreg:$0x1] =	wrdreg $0xFFFFFFFF  }
0xa7: {  	s28 =	simm.s32 $_size_execute0_lowered;
	s3 =	sadd.s32 s3, s5;
	[dreg:$0x0] =	wrdreg $0x0  }
0xa8: {  	s5 =	sshll.u32 s28, $0x1;
	[dreg:$0x2] =	wrdreg s3  }
0xa9: {  	[dreg:$0x3] =	wrdreg s5  }
0xaa: {  	[dreg:$0x4] =	wrdreg $0xC0  }
0xab: {  	_ =	task [dreg:s7], $0x5FFFF  }
0xac: {  	[dreg:$0x1] =	wrdreg $0xFFFFFFFF  }
0xad: {  	[dreg:$0x0] =	wrdreg $0x60  }
0xae: {  	[dreg:$0x2] =	wrdreg s2  }
0xaf: {  	[dreg:$0x3] =	wrdreg s24  }
0xb0: {  	[dreg:$0x4] =	wrdreg $0x9  }
0xb1: {  	_ =	task.clear_ibuf [dreg:s7], $0x5FFFF;
	_ =	strace $0x90000046  }
0xb2: {  	s29 =	simm.s32 $0x9;
	_ =	strace $0x80000048  }
0xb3: {  	_ =	swait.ge [sflag:s29], $0x1  }
0xb4: {  	[sflag:s29] =	ssyncadd.s32 $0xFFFFFFFF  }
0xb5: {  	_ =	strace $0x90000048  }
0xb6: {  	_ =	sfence  }
0xb7: {  	s30 =	sld [smem:$0x0];
	_ =	sdelay $0x2  }
0xb8: {  	s31 =	sshll.u32 s1, $0xD;
	s1 =	sshrl.u32 s1, $0x2  }
0xb9: {  	s3 =	sand.u32 $0x4000, s31;
	s1 =	sadd.s32 s1, s30  }
0xba: {  	s0 =	sor.u32 s3, s0;
	s1 =	sshll.u32 s1, $0x11  }
0xbb: {  	s0 =	sor.u32 s1, s0  }
0xbc: {  	s0 =	sadd.s32 $0x8F2B, s0  }
0xbd: {  	[sflag:s0] =	ssyncadd.remote.s32 $0x1  }
0xbe: {  	_ =	sfence.sel $0xFFFF  }
0xbf: {  	[dreg:$0x0] =	wrdreg $0xFFFFFFFF;
	(pc) =	sbr.abs _section_cstart, $3  }
0xc0: {  	[dreg:$0x1] =	wrdreg $0xFFFFFFFF  }
0xc1: {  	_ =	task.clear_ibuf [dreg:s7], $0x2FFFF;
	_ =	strace $0x9FFFFFFF  }
0xc2: {  	(tm) =	ssettm $0x7FFFFFFF  }
0xc3: {  	_ =	shalt  }
tec
execute0_lowered:
.L_overlay_start_1:
0x0: {  	(tag) =	ssettag $0x1  }
0x1: {  	s0 =	srdreg.scid;
	s1 =	rddreg [dreg:$0x0]  }
0x2: {  	s8 =	stileid.u32;
	s3 =	rddreg [dreg:$0x1]  }
0x3: {  	s9 =	simm.s32 $0x0;
	s28 =	simm.s32 $0x9;
	s29 =	simm.s32 $0xA  }
0x4: {  	s30 =	simm.s32 $0xB;
	s31 =	simm.s32 $0xC;
	s2 =	smul.u32 $0xC800, s8  }
0x5: {  	s11 =	simm.s32 $0x0;
	s0 =	sand.u32 $0x1, s0;
	s5 =	smul.u32 $0xC8000, s8  }
0x6: {  	s6 =	sadd.s32 $0xA00, s3;
	[smem:$0x7FF] =	sst s9;
	s3 =	sadd.s32 $0xF42E00, s3  }
0x7: {  	s19 =	sshll.u32 s8, $0x1;
	s8 =	simm.s32 $0x13;
	s4 =	smul.u32 $0x6400, s0  }
0x8: {  	s9 =	simm.s32 $0x14;
	s7 =	smul.u32 $0x64000, s0;
	_ =	strace $0x80000047  }
0x9: {  	s15 =	ssub.s32 $0x2, s0;
	s0 =	sor.u32 s0, s19;
	s13 =	sadd.s32 s5, s6  }
0xa: {  	s17 =	sshrl.u32 s15, $0x1;
	s0 =	smul.u32 $0x6400, s0;
	s2 =	sadd.s32 s4, s2  }
0xb: {  	s4 =	sadd.s32 s7, s13;
	s5 =	ssub.s32 s15, s17;
	s2 =	sshll.u32 s2, $0x4  }
0xc: {  	[dreg:$0x3] =	wrdreg s4;
	s0 =	sshrl.u32 s0, $0x3;
	s26 =	smax.u32 s5, $0x1  }
0xd: {  	s2 =	sadd.s32 s2, s6;
	s0 =	sadd.s32 s1, s0;
	[dreg:$0xe] =	wrdreg s26  }
0xe: {  	s19 =	simm.s32 $0x40;
	s14 =	sadd.s32 $0x4800, s2;
	[dreg:$0xd] =	wrdreg s0  }
0xf: {  	s7 =	simm.s32 $0x80;
	s16 =	sadd.s32 $0x4000, s2;
	[dreg:$0x4] =	wrdreg s14  }
0x10: {  	s4 =	simm.s32 $0x10;
	s18 =	sadd.s32 $0x3800, s2;
	[dreg:$0x5] =	wrdreg s16  }
0x11: {  	s5 =	simm.s32 $0x11;
	s20 =	sadd.s32 $0x3000, s2;
	[dreg:$0x6] =	wrdreg s18  }
0x12: {  	s1 =	simm.s32 $0xD;
	s21 =	sadd.s32 $0x2800, s2;
	[dreg:$0x7] =	wrdreg s20  }
0x13: {  	s6 =	simm.s32 $0x12;
	s22 =	sadd.s32 $0x2000, s2;
	[dreg:$0x8] =	wrdreg s21  }
0x14: {  	s26 =	simm.s32 $0x1;
	s23 =	sadd.s32 $0x1800, s2;
	[dreg:$0x9] =	wrdreg s22  }
0x15: {  	s24 =	sadd.s32 $0x1000, s2;
	s25 =	sadd.s32 $0x800, s2;
	[dreg:$0xa] =	wrdreg s23  }
0x16: {  	s0 =	simm.s32 $0xE;
	s2 =	simm.s32 $0xF;
	[dreg:$0xb] =	wrdreg s24  }
0x17: {  	[dreg:$0xc] =	wrdreg s25;
	s24 =	simm.s32 $0x16400;
	s25 =	simm.s32 $0x18400  }
.LBB2_1:
0x18: {  	[dreg:$0xf] =	wrdreg s11  }
0x19: {  	s10 =	simm.s32 $0x0;
	s23 =	rddreg [dreg:$0xd];
	s11 =	simm.s32 $0x15  }
0x1a: {  	[tilespmem:s10], [sflag:$0x15] =	stream.linear.gather [hbm4b:s23+s10], $0x6400, $0x38;
	[tilespmem:$0x1A400] =	vst v63  }
0x1b: {  	_ =	swait.ge [sflag:s11], $0x6400  }
0x1c: {  	[sflag:s11] =	ssyncset.done $0x0  }
0x1d: {  	s12 =	simm.s32 $0x0;
	[sflag:s11] =	ssyncadd.s32 $0xFFFF9C00;
	s11 =	simm.s32 $0x6400  }
0x1e: {  	[tilespmem:s11], [sflag:$0x1] =	stream.indirect.gather [hbm4b:s3+s7], $0x40, s12, s7, $0xb8;
	[tilespmem:$0x1A400] =	vst v63  }
0x1f: {  	s13 =	simm.s32 $0x80;
	s12 =	simm.s32 $0x8400  }
0x20: {  	[tilespmem:s12], [sflag:$0x2] =	stream.indirect.gather [hbm4b:s3+s7], $0x40, s13, s7, $0xb8;
	[tilespmem:$0x1A400] =	vst v63  }
0x21: {  	s14 =	simm.s32 $0x100;
	s13 =	simm.s32 $0xA400  }
0x22: {  	[tilespmem:s13], [sflag:$0x3] =	stream.indirect.gather [hbm4b:s3+s7], $0x40, s14, s7, $0xb8;
	[tilespmem:$0x1A400] =	vst v63  }
0x23: {  	s15 =	simm.s32 $0x180;
	s14 =	simm.s32 $0xC400  }
0x24: {  	[tilespmem:s14], [sflag:$0x4] =	stream.indirect.gather [hbm4b:s3+s7], $0x40, s15, s7, $0xb8;
	[tilespmem:$0x1A400] =	vst v63  }
0x25: {  	s16 =	simm.s32 $0x200;
	s15 =	simm.s32 $0xE400  }
0x26: {  	[tilespmem:s15], [sflag:$0x5] =	stream.indirect.gather [hbm4b:s3+s7], $0x40, s16, s7, $0xb8;
	[tilespmem:$0x1A400] =	vst v63  }
0x27: {  	s17 =	simm.s32 $0x280;
	s16 =	simm.s32 $0x10400  }
0x28: {  	[tilespmem:s16], [sflag:$0x6] =	stream.indirect.gather [hbm4b:s3+s7], $0x40, s17, s7, $0xb8;
	[tilespmem:$0x1A400] =	vst v63  }
0x29: {  	s18 =	simm.s32 $0x300;
	s17 =	simm.s32 $0x12400  }
0x2a: {  	[tilespmem:s17], [sflag:$0x7] =	stream.indirect.gather [hbm4b:s3+s7], $0x40, s18, s7, $0xb8;
	[tilespmem:$0x1A400] =	vst v63  }
0x2b: {  	s20 =	simm.s32 $0x380;
	s18 =	simm.s32 $0x14400  }
0x2c: {  	[tilespmem:s18], [sflag:$0x8] =	stream.indirect.gather [hbm4b:s3+s7], $0x40, s20, s7, $0xb8;
	[tilespmem:$0x1A400] =	vst v63  }
0x2d: {  	s21 =	simm.s32 $0x400;
	s20 =	simm.s32 $0x16400  }
0x2e: {  	[tilespmem:s20], [sflag:$0x9] =	stream.indirect.gather [hbm4b:s3+s7], $0x40, s21, s7, $0xb8;
	[tilespmem:$0x1A400] =	vst v63  }
0x2f: {  	s22 =	simm.s32 $0x480;
	s21 =	simm.s32 $0x18400  }
0x30: {  	[tilespmem:s21], [sflag:$0xA] =	stream.indirect.gather [hbm4b:s3+s7], $0x40, s22, s7, $0xb8;
	[tilespmem:$0x1A400] =	vst v63  }
0x31: {  	s22 =	simm.s32 $0x1  }
0x32: {  	_ =	swait.ge [sflag:s22], $0x2000  }
0x33: {  	s23 =	rddreg [dreg:$0x3];
	[sflag:s22] =	ssyncset.done $0x0  }
0x34: {  	[sflag:s22] =	ssyncadd.s32 $0xFFFFE000;
	s10 =	sadd.s32 $0x0, s23;
	s22 =	simm.s32 $0x2  }
0x35: {  	[hbm4b:s10+s19] =	stream.strided.scatter [tilespmem:s11], [sflag:$0xB], $0x2000, s7, s19, $0x38;
	[tilespmem:$0x1A400] =	vst v63  }
0x36: {  	_ =	swait.ge [sflag:s22], $0x2000  }
0x37: {  	s23 =	rddreg [dreg:$0xc];
	[sflag:s22] =	ssyncset.done $0x0  }
0x38: {  	[sflag:s22] =	ssyncadd.s32 $0xFFFFE000;
	s10 =	sadd.s32 $0x0, s23;
	s22 =	simm.s32 $0x3  }
0x39: {  	[hbm4b:s10+s19] =	stream.strided.scatter [tilespmem:s12], [sflag:$0xC], $0x2000, s7, s19, $0x38;
	[tilespmem:$0x1A400] =	vst v63  }
0x3a: {  	_ =	swait.ge [sflag:s22], $0x2000  }
0x3b: {  	s23 =	rddreg [dreg:$0xb];
	[sflag:s22] =	ssyncset.done $0x0  }
0x3c: {  	s12 =	simm.s32 $0x4;
	[sflag:s22] =	ssyncadd.s32 $0xFFFFE000;
	s10 =	sadd.s32 $0x0, s23  }
0x3d: {  	[hbm4b:s10+s19] =	stream.strided.scatter [tilespmem:s13], [sflag:$0xD], $0x2000, s7, s19, $0x38;
	[tilespmem:$0x1A400] =	vst v63  }
0x3e: {  	_ =	swait.ge [sflag:s12], $0x2000  }
0x3f: {  	s13 =	rddreg [dreg:$0xa];
	[sflag:s12] =	ssyncset.done $0x0  }
0x40: {  	s22 =	simm.s32 $0x5;
	[sflag:s12] =	ssyncadd.s32 $0xFFFFE000;
	s10 =	sadd.s32 $0x0, s13  }
0x41: {  	[hbm4b:s10+s19] =	stream.strided.scatter [tilespmem:s14], [sflag:$0xE], $0x2000, s7, s19, $0x38;
	[tilespmem:$0x1A400] =	vst v63  }
0x42: {  	_ =	swait.ge [sflag:s22], $0x2000  }
0x43: {  	s23 =	rddreg [dreg:$0x9];
	[sflag:s22] =	ssyncset.done $0x0  }
0x44: {  	s12 =	simm.s32 $0x6;
	[sflag:s22] =	ssyncadd.s32 $0xFFFFE000;
	s10 =	sadd.s32 $0x0, s23  }
0x45: {  	[hbm4b:s10+s19] =	stream.strided.scatter [tilespmem:s15], [sflag:$0xF], $0x2000, s7, s19, $0x38;
	[tilespmem:$0x1A400] =	vst v63  }
0x46: {  	_ =	swait.ge [sflag:s12], $0x2000  }
0x47: {  	s13 =	rddreg [dreg:$0x8];
	[sflag:s12] =	ssyncset.done $0x0  }
0x48: {  	s14 =	simm.s32 $0x7;
	[sflag:s12] =	ssyncadd.s32 $0xFFFFE000;
	s10 =	sadd.s32 $0x0, s13  }
0x49: {  	[hbm4b:s10+s19] =	stream.strided.scatter [tilespmem:s16], [sflag:$0x10], $0x2000, s7, s19, $0x38;
	[tilespmem:$0x1A400] =	vst v63  }
0x4a: {  	_ =	swait.ge [sflag:s14], $0x2000  }
0x4b: {  	s15 =	rddreg [dreg:$0x7];
	[sflag:s14] =	ssyncset.done $0x0  }
0x4c: {  	s16 =	simm.s32 $0x8;
	[sflag:s14] =	ssyncadd.s32 $0xFFFFE000;
	s10 =	sadd.s32 $0x0, s15  }
0x4d: {  	[hbm4b:s10+s19] =	stream.strided.scatter [tilespmem:s17], [sflag:$0x11], $0x2000, s7, s19, $0x38;
	[tilespmem:$0x1A400] =	vst v63  }
0x4e: {  	_ =	swait.ge [sflag:s16], $0x2000  }
0x4f: {  	s17 =	rddreg [dreg:$0x6];
	[sflag:s16] =	ssyncset.done $0x0  }
0x50: {  	[sflag:s16] =	ssyncadd.s32 $0xFFFFE000;
	s10 =	sadd.s32 $0x0, s17  }
0x51: {  	[hbm4b:s10+s19] =	stream.strided.scatter [tilespmem:s18], [sflag:$0x12], $0x2000, s7, s19, $0x38;
	[tilespmem:$0x1A400] =	vst v63  }
0x52: {  	_ =	swait.ge [sflag:s28], $0x2000  }
0x53: {  	s22 =	rddreg [dreg:$0x5];
	[sflag:s28] =	ssyncset.done $0x0  }
0x54: {  	[sflag:s28] =	ssyncadd.s32 $0xFFFFE000;
	s10 =	sadd.s32 $0x0, s22  }
0x55: {  	[hbm4b:s10+s19] =	stream.strided.scatter [tilespmem:s20], [sflag:$0x13], $0x2000, s7, s19, $0x38;
	[tilespmem:$0x1A400] =	vst v63  }
0x56: {  	_ =	swait.ge [sflag:s29], $0x2000  }
0x57: {  	s23 =	rddreg [dreg:$0x4];
	[sflag:s29] =	ssyncset.done $0x0  }
0x58: {  	[sflag:s29] =	ssyncadd.s32 $0xFFFFE000;
	s10 =	sadd.s32 $0x0, s23  }
0x59: {  	[hbm4b:s10+s19] =	stream.strided.scatter [tilespmem:s21], [sflag:$0x14], $0x2000, s7, s19, $0x38;
	[tilespmem:$0x1A400] =	vst v63  }
0x5a: {  	_ =	swait.ge [sflag:s30], $0x2000  }
0x5b: {  	[sflag:s30] =	ssyncset.done $0x0  }
0x5c: {  	[sflag:s30] =	ssyncadd.s32 $0xFFFFE000  }
0x5d: {  	_ =	swait.ge [sflag:s31], $0x2000  }
0x5e: {  	[sflag:s31] =	ssyncset.done $0x0  }
0x5f: {  	[sflag:s31] =	ssyncadd.s32 $0xFFFFE000  }
0x60: {  	_ =	swait.ge [sflag:s1], $0x2000  }
0x61: {  	[sflag:s1] =	ssyncset.done $0x0  }
0x62: {  	[sflag:s1] =	ssyncadd.s32 $0xFFFFE000  }
0x63: {  	_ =	swait.ge [sflag:s0], $0x2000  }
0x64: {  	[sflag:s0] =	ssyncset.done $0x0  }
0x65: {  	[sflag:s0] =	ssyncadd.s32 $0xFFFFE000  }
0x66: {  	_ =	swait.ge [sflag:s2], $0x2000  }
0x67: {  	[sflag:s2] =	ssyncset.done $0x0  }
0x68: {  	[sflag:s2] =	ssyncadd.s32 $0xFFFFE000  }
0x69: {  	_ =	swait.ge [sflag:s4], $0x2000  }
0x6a: {  	[sflag:s4] =	ssyncset.done $0x0  }
0x6b: {  	[sflag:s4] =	ssyncadd.s32 $0xFFFFE000  }
0x6c: {  	_ =	swait.ge [sflag:s5], $0x2000  }
0x6d: {  	[sflag:s5] =	ssyncset.done $0x0  }
0x6e: {  	[sflag:s5] =	ssyncadd.s32 $0xFFFFE000  }
0x6f: {  	_ =	swait.ge [sflag:s6], $0x2000  }
0x70: {  	[sflag:s6] =	ssyncset.done $0x0  }
0x71: {  	[sflag:s6] =	ssyncadd.s32 $0xFFFFE000  }
0x72: {  	_ =	swait.ge [sflag:s8], $0x2000  }
0x73: {  	[sflag:s8] =	ssyncset.done $0x0  }
0x74: {  	[sflag:s8] =	ssyncadd.s32 $0xFFFFE000  }
0x75: {  	s11 =	simm.s32 $0x980;
	_ =	swait.ge [sflag:s9], $0x2000  }
0x76: {  	s12 =	simm.s32 $0xA000;
	s10 =	simm.s32 $0x5000;
	[sflag:s9] =	ssyncset.done $0x0  }
.LBB2_2:
0x77: {  	s13 =	sadd.s32 $0xFFFFFB80, s11;
	[sflag:s9] =	ssyncadd.s32 $0xFFFFE000;
	s15 =	simm.s32 $0x6400  }
0x78: {  	[tilespmem:s15], [sflag:$0x1] =	stream.indirect.gather [hbm4b:s3+s7], $0x40, s13, s7, $0xb8;
	[tilespmem:$0x1A400] =	vst v63  }
0x79: {  	s14 =	sadd.s32 $0xFFFFFC00, s11;
	s16 =	simm.s32 $0x8400  }
0x7a: {  	[tilespmem:s16], [sflag:$0x2] =	stream.indirect.gather [hbm4b:s3+s7], $0x40, s14, s7, $0xb8;
	[tilespmem:$0x1A400] =	vst v63  }
0x7b: {  	s18 =	sadd.s32 $0xFFFFFC80, s11;
	s17 =	simm.s32 $0xA400  }
0x7c: {  	[tilespmem:s17], [sflag:$0x3] =	stream.indirect.gather [hbm4b:s3+s7], $0x40, s18, s7, $0xb8;
	[tilespmem:$0x1A400] =	vst v63  }
0x7d: {  	s20 =	sadd.s32 $0xFFFFFD00, s11;
	s18 =	simm.s32 $0xC400  }
0x7e: {  	[tilespmem:s18], [sflag:$0x4] =	stream.indirect.gather [hbm4b:s3+s7], $0x40, s20, s7, $0xb8;
	[tilespmem:$0x1A400] =	vst v63  }
0x7f: {  	s21 =	sadd.s32 $0xFFFFFD80, s11;
	s20 =	simm.s32 $0xE400  }
0x80: {  	[tilespmem:s20], [sflag:$0x5] =	stream.indirect.gather [hbm4b:s3+s7], $0x40, s21, s7, $0xb8;
	[tilespmem:$0x1A400] =	vst v63  }
0x81: {  	s22 =	sadd.s32 $0xFFFFFE00, s11;
	s21 =	simm.s32 $0x10400  }
0x82: {  	[tilespmem:s21], [sflag:$0x6] =	stream.indirect.gather [hbm4b:s3+s7], $0x40, s22, s7, $0xb8;
	[tilespmem:$0x1A400] =	vst v63  }
0x83: {  	s23 =	sadd.s32 $0xFFFFFE80, s11;
	s22 =	simm.s32 $0x12400  }
0x84: {  	[tilespmem:s22], [sflag:$0x7] =	stream.indirect.gather [hbm4b:s3+s7], $0x40, s23, s7, $0xb8;
	[tilespmem:$0x1A400] =	vst v63  }
0x85: {  	s14 =	sadd.s32 $0xFFFFFF00, s11;
	s23 =	simm.s32 $0x14400  }
0x86: {  	[tilespmem:s23], [sflag:$0x8] =	stream.indirect.gather [hbm4b:s3+s7], $0x40, s14, s7, $0xb8;
	[tilespmem:$0x1A400] =	vst v63  }
0x87: {  	s14 =	sadd.s32 $0xFFFFFF80, s11  }
0x88: {  	[tilespmem:s24], [sflag:$0x9] =	stream.indirect.gather [hbm4b:s3+s7], $0x40, s14, s7, $0xb8;
	[tilespmem:$0x1A400] =	vst v63  }
0x89: {  	_ = 	snop  }
0x8a: {  	[tilespmem:s25], [sflag:$0xA] =	stream.indirect.gather [hbm4b:s3+s7], $0x40, s11, s7, $0xb8;
	[tilespmem:$0x1A400] =	vst v63  }
0x8b: {  	_ =	swait.ge [sflag:s26], $0x2000  }
0x8c: {  	s14 =	rddreg [dreg:$0x3];
	[sflag:s26] =	ssyncset.done $0x0  }
0x8d: {  	[sflag:s26] =	ssyncadd.s32 $0xFFFFE000;
	s14 =	sadd.s32 s10, s14  }
0x8e: {  	[hbm4b:s14+s19] =	stream.strided.scatter [tilespmem:s15], [sflag:$0xB], $0x2000, s7, s19, $0x38;
	[tilespmem:$0x1A400] =	vst v63  }
0x8f: {  	s15 =	simm.s32 $0x2  }
0x90: {  	_ =	swait.ge [sflag:s15], $0x2000  }
0x91: {  	s14 =	rddreg [dreg:$0xc];
	[sflag:s15] =	ssyncset.done $0x0  }
0x92: {  	[sflag:s15] =	ssyncadd.s32 $0xFFFFE000;
	s14 =	sadd.s32 s10, s14  }
0x93: {  	[hbm4b:s14+s19] =	stream.strided.scatter [tilespmem:s16], [sflag:$0xC], $0x2000, s7, s19, $0x38;
	[tilespmem:$0x1A400] =	vst v63  }
0x94: {  	s14 =	simm.s32 $0x3  }
0x95: {  	_ =	swait.ge [sflag:s14], $0x2000  }
0x96: {  	s16 =	rddreg [dreg:$0xb];
	[sflag:s14] =	ssyncset.done $0x0  }
0x97: {  	[sflag:s14] =	ssyncadd.s32 $0xFFFFE000;
	s14 =	sadd.s32 s10, s16  }
0x98: {  	[hbm4b:s14+s19] =	stream.strided.scatter [tilespmem:s17], [sflag:$0xD], $0x2000, s7, s19, $0x38;
	[tilespmem:$0x1A400] =	vst v63  }
0x99: {  	s14 =	simm.s32 $0x4  }
0x9a: {  	_ =	swait.ge [sflag:s14], $0x2000  }
0x9b: {  	s16 =	rddreg [dreg:$0xa];
	[sflag:s14] =	ssyncset.done $0x0  }
0x9c: {  	s17 =	simm.s32 $0x5;
	[sflag:s14] =	ssyncadd.s32 $0xFFFFE000;
	s14 =	sadd.s32 s10, s16  }
0x9d: {  	[hbm4b:s14+s19] =	stream.strided.scatter [tilespmem:s18], [sflag:$0xE], $0x2000, s7, s19, $0x38;
	[tilespmem:$0x1A400] =	vst v63  }
0x9e: {  	_ =	swait.ge [sflag:s17], $0x2000  }
0x9f: {  	s18 =	rddreg [dreg:$0x9];
	[sflag:s17] =	ssyncset.done $0x0  }
0xa0: {  	[sflag:s17] =	ssyncadd.s32 $0xFFFFE000;
	s14 =	sadd.s32 s10, s18  }
0xa1: {  	[hbm4b:s14+s19] =	stream.strided.scatter [tilespmem:s20], [sflag:$0xF], $0x2000, s7, s19, $0x38;
	[tilespmem:$0x1A400] =	vst v63  }
0xa2: {  	s14 =	simm.s32 $0x6  }
0xa3: {  	_ =	swait.ge [sflag:s14], $0x2000  }
0xa4: {  	s16 =	rddreg [dreg:$0x8];
	[sflag:s14] =	ssyncset.done $0x0  }
0xa5: {  	s17 =	simm.s32 $0x7;
	[sflag:s14] =	ssyncadd.s32 $0xFFFFE000;
	s14 =	sadd.s32 s10, s16  }
0xa6: {  	[hbm4b:s14+s19] =	stream.strided.scatter [tilespmem:s21], [sflag:$0x10], $0x2000, s7, s19, $0x38;
	[tilespmem:$0x1A400] =	vst v63  }
0xa7: {  	_ =	swait.ge [sflag:s17], $0x2000  }
0xa8: {  	s18 =	rddreg [dreg:$0x7];
	[sflag:s17] =	ssyncset.done $0x0  }
0xa9: {  	s20 =	simm.s32 $0x8;
	[sflag:s17] =	ssyncadd.s32 $0xFFFFE000;
	s14 =	sadd.s32 s10, s18  }
0xaa: {  	[hbm4b:s14+s19] =	stream.strided.scatter [tilespmem:s22], [sflag:$0x11], $0x2000, s7, s19, $0x38;
	[tilespmem:$0x1A400] =	vst v63  }
0xab: {  	_ =	swait.ge [sflag:s20], $0x2000  }
0xac: {  	s21 =	rddreg [dreg:$0x6];
	[sflag:s20] =	ssyncset.done $0x0  }
0xad: {  	[sflag:s20] =	ssyncadd.s32 $0xFFFFE000;
	s14 =	sadd.s32 s10, s21  }
0xae: {  	[hbm4b:s14+s19] =	stream.strided.scatter [tilespmem:s23], [sflag:$0x12], $0x2000, s7, s19, $0x38;
	[tilespmem:$0x1A400] =	vst v63  }
0xaf: {  	_ =	swait.ge [sflag:s28], $0x2000  }
0xb0: {  	s22 =	rddreg [dreg:$0x5];
	[sflag:s28] =	ssyncset.done $0x0  }
0xb1: {  	[sflag:s28] =	ssyncadd.s32 $0xFFFFE000;
	s14 =	sadd.s32 s10, s22  }
0xb2: {  	[hbm4b:s14+s19] =	stream.strided.scatter [tilespmem:s24], [sflag:$0x13], $0x2000, s7, s19, $0x38;
	[tilespmem:$0x1A400] =	vst v63  }
0xb3: {  	_ =	swait.ge [sflag:s29], $0x2000  }
0xb4: {  	s23 =	rddreg [dreg:$0x4];
	[sflag:s29] =	ssyncset.done $0x0  }
0xb5: {  	[sflag:s29] =	ssyncadd.s32 $0xFFFFE000;
	s14 =	sadd.s32 s10, s23  }
0xb6: {  	[hbm4b:s14+s19] =	stream.strided.scatter [tilespmem:s25], [sflag:$0x14], $0x2000, s7, s19, $0x38;
	[tilespmem:$0x1A400] =	vst v63  }
0xb7: {  	_ =	swait.ge [sflag:s30], $0x2000  }
0xb8: {  	[sflag:s30] =	ssyncset.done $0x0  }
0xb9: {  	[sflag:s30] =	ssyncadd.s32 $0xFFFFE000  }
0xba: {  	_ =	swait.ge [sflag:s31], $0x2000  }
0xbb: {  	[sflag:s31] =	ssyncset.done $0x0  }
0xbc: {  	[sflag:s31] =	ssyncadd.s32 $0xFFFFE000  }
0xbd: {  	_ =	swait.ge [sflag:s1], $0x2000  }
0xbe: {  	[sflag:s1] =	ssyncset.done $0x0  }
0xbf: {  	[sflag:s1] =	ssyncadd.s32 $0xFFFFE000  }
0xc0: {  	_ =	swait.ge [sflag:s0], $0x2000  }
0xc1: {  	[sflag:s0] =	ssyncset.done $0x0  }
0xc2: {  	[sflag:s0] =	ssyncadd.s32 $0xFFFFE000  }
0xc3: {  	_ =	swait.ge [sflag:s2], $0x2000  }
0xc4: {  	[sflag:s2] =	ssyncset.done $0x0  }
0xc5: {  	[sflag:s2] =	ssyncadd.s32 $0xFFFFE000  }
0xc6: {  	_ =	swait.ge [sflag:s4], $0x2000  }
0xc7: {  	[sflag:s4] =	ssyncset.done $0x0  }
0xc8: {  	[sflag:s4] =	ssyncadd.s32 $0xFFFFE000  }
0xc9: {  	_ =	swait.ge [sflag:s5], $0x2000  }
0xca: {  	[sflag:s5] =	ssyncset.done $0x0  }
0xcb: {  	[sflag:s5] =	ssyncadd.s32 $0xFFFFE000  }
0xcc: {  	_ =	swait.ge [sflag:s6], $0x2000  }
0xcd: {  	[sflag:s6] =	ssyncset.done $0x0  }
0xce: {  	p0 =	sne.s32 s12, $0x5F000;
	[sflag:s6] =	ssyncadd.s32 $0xFFFFE000  }
.Ltmp0:
0xcf: {  	_ =	swait.ge [sflag:s8], $0x2000;
	(pc) =	sbr.rel @p0 .LBB2_2-.Ltmp0, $4  }
0xd0: {  	[sflag:s8] =	ssyncset.done $0x0  }
0xd1: {  	[sflag:s8] =	ssyncadd.s32 $0xFFFFE000  }
0xd2: {  	s13 =	smov.u32 s12;
	s12 =	sadd.s32 $0x5000, s12;
	_ =	swait.ge [sflag:s9], $0x2000  }
0xd3: {  	s11 =	sadd.s32 $0x500, s11;
	s10 =	smov.u32 s13;
	[sflag:s9] =	ssyncset.done $0x0  }
0xd4: {  	s12 =	sadd.s32 $0xFFFFFB80, s11;
	[sflag:s9] =	ssyncadd.s32 $0xFFFFE000;
	s13 =	simm.s32 $0x6400  }
0xd5: {  	[tilespmem:s13], [sflag:$0x1] =	stream.indirect.gather [hbm4b:s3+s7], $0x40, s12, s7, $0xb8;
	[tilespmem:$0x1A400] =	vst v63  }
0xd6: {  	s15 =	sadd.s32 $0xFFFFFC00, s11;
	s14 =	simm.s32 $0x8400  }
0xd7: {  	[tilespmem:s14], [sflag:$0x2] =	stream.indirect.gather [hbm4b:s3+s7], $0x40, s15, s7, $0xb8;
	[tilespmem:$0x1A400] =	vst v63  }
0xd8: {  	s16 =	sadd.s32 $0xFFFFFC80, s11;
	s15 =	simm.s32 $0xA400  }
0xd9: {  	[tilespmem:s15], [sflag:$0x3] =	stream.indirect.gather [hbm4b:s3+s7], $0x40, s16, s7, $0xb8;
	[tilespmem:$0x1A400] =	vst v63  }
0xda: {  	s17 =	sadd.s32 $0xFFFFFD00, s11;
	s16 =	simm.s32 $0xC400  }
0xdb: {  	[tilespmem:s16], [sflag:$0x4] =	stream.indirect.gather [hbm4b:s3+s7], $0x40, s17, s7, $0xb8;
	[tilespmem:$0x1A400] =	vst v63  }
0xdc: {  	s18 =	sadd.s32 $0xFFFFFD80, s11;
	s17 =	simm.s32 $0xE400  }
0xdd: {  	[tilespmem:s17], [sflag:$0x5] =	stream.indirect.gather [hbm4b:s3+s7], $0x40, s18, s7, $0xb8;
	[tilespmem:$0x1A400] =	vst v63  }
0xde: {  	s20 =	sadd.s32 $0xFFFFFE00, s11;
	s18 =	simm.s32 $0x10400  }
0xdf: {  	[tilespmem:s18], [sflag:$0x6] =	stream.indirect.gather [hbm4b:s3+s7], $0x40, s20, s7, $0xb8;
	[tilespmem:$0x1A400] =	vst v63  }
0xe0: {  	s21 =	sadd.s32 $0xFFFFFE80, s11;
	s20 =	simm.s32 $0x12400  }
0xe1: {  	[tilespmem:s20], [sflag:$0x7] =	stream.indirect.gather [hbm4b:s3+s7], $0x40, s21, s7, $0xb8;
	[tilespmem:$0x1A400] =	vst v63  }
0xe2: {  	s22 =	sadd.s32 $0xFFFFFF00, s11;
	s21 =	simm.s32 $0x14400  }
0xe3: {  	[tilespmem:s21], [sflag:$0x8] =	stream.indirect.gather [hbm4b:s3+s7], $0x40, s22, s7, $0xb8;
	[tilespmem:$0x1A400] =	vst v63  }
0xe4: {  	s23 =	sadd.s32 $0xFFFFFF80, s11;
	s22 =	simm.s32 $0x16400  }
0xe5: {  	[tilespmem:s22], [sflag:$0x9] =	stream.indirect.gather [hbm4b:s3+s7], $0x40, s23, s7, $0xb8;
	[tilespmem:$0x1A400] =	vst v63  }
0xe6: {  	s12 =	simm.s32 $0x18400;
	s23 =	simm.s32 $0x1  }
0xe7: {  	[tilespmem:s12], [sflag:$0xA] =	stream.indirect.gather [hbm4b:s3+s7], $0x40, s11, s7, $0xb8;
	[tilespmem:$0x1A400] =	vst v63  }
0xe8: {  	_ =	swait.ge [sflag:s23], $0x2000  }
0xe9: {  	s11 =	rddreg [dreg:$0x3];
	[sflag:s23] =	ssyncset.done $0x0  }
0xea: {  	[sflag:s23] =	ssyncadd.s32 $0xFFFFE000;
	s11 =	sadd.s32 s10, s11  }
0xeb: {  	[hbm4b:s11+s19] =	stream.strided.scatter [tilespmem:s13], [sflag:$0xB], $0x2000, s7, s19, $0x38;
	[tilespmem:$0x1A400] =	vst v63  }
0xec: {  	s11 =	simm.s32 $0x2  }
0xed: {  	_ =	swait.ge [sflag:s11], $0x2000  }
0xee: {  	s23 =	rddreg [dreg:$0xc];
	[sflag:s11] =	ssyncset.done $0x0  }
0xef: {  	[sflag:s11] =	ssyncadd.s32 $0xFFFFE000;
	s11 =	sadd.s32 s10, s23  }
0xf0: {  	[hbm4b:s11+s19] =	stream.strided.scatter [tilespmem:s14], [sflag:$0xC], $0x2000, s7, s19, $0x38;
	[tilespmem:$0x1A400] =	vst v63  }
0xf1: {  	s14 =	simm.s32 $0x3  }
0xf2: {  	_ =	swait.ge [sflag:s14], $0x2000  }
0xf3: {  	s23 =	rddreg [dreg:$0xb];
	[sflag:s14] =	ssyncset.done $0x0  }
0xf4: {  	[sflag:s14] =	ssyncadd.s32 $0xFFFFE000;
	s11 =	sadd.s32 s10, s23  }
0xf5: {  	[hbm4b:s11+s19] =	stream.strided.scatter [tilespmem:s15], [sflag:$0xD], $0x2000, s7, s19, $0x38;
	[tilespmem:$0x1A400] =	vst v63  }
0xf6: {  	s11 =	simm.s32 $0x4  }
0xf7: {  	_ =	swait.ge [sflag:s11], $0x2000  }
0xf8: {  	s14 =	rddreg [dreg:$0xa];
	[sflag:s11] =	ssyncset.done $0x0  }
0xf9: {  	s15 =	simm.s32 $0x5;
	[sflag:s11] =	ssyncadd.s32 $0xFFFFE000;
	s11 =	sadd.s32 s10, s14  }
0xfa: {  	[hbm4b:s11+s19] =	stream.strided.scatter [tilespmem:s16], [sflag:$0xE], $0x2000, s7, s19, $0x38;
	[tilespmem:$0x1A400] =	vst v63  }
0xfb: {  	_ =	swait.ge [sflag:s15], $0x2000  }
0xfc: {  	s16 =	rddreg [dreg:$0x9];
	[sflag:s15] =	ssyncset.done $0x0  }
0xfd: {  	[sflag:s15] =	ssyncadd.s32 $0xFFFFE000;
	s11 =	sadd.s32 s10, s16  }
0xfe: {  	[hbm4b:s11+s19] =	stream.strided.scatter [tilespmem:s17], [sflag:$0xF], $0x2000, s7, s19, $0x38;
	[tilespmem:$0x1A400] =	vst v63  }
0xff: {  	s17 =	simm.s32 $0x6  }
0x100: {  	_ =	swait.ge [sflag:s17], $0x2000  }
0x101: {  	s23 =	rddreg [dreg:$0x8];
	[sflag:s17] =	ssyncset.done $0x0  }
0x102: {  	s14 =	simm.s32 $0x7;
	[sflag:s17] =	ssyncadd.s32 $0xFFFFE000;
	s11 =	sadd.s32 s10, s23  }
0x103: {  	[hbm4b:s11+s19] =	stream.strided.scatter [tilespmem:s18], [sflag:$0x10], $0x2000, s7, s19, $0x38;
	[tilespmem:$0x1A400] =	vst v63  }
0x104: {  	_ =	swait.ge [sflag:s14], $0x2000  }
0x105: {  	s15 =	rddreg [dreg:$0x7];
	[sflag:s14] =	ssyncset.done $0x0  }
0x106: {  	s16 =	simm.s32 $0x8;
	[sflag:s14] =	ssyncadd.s32 $0xFFFFE000;
	s11 =	sadd.s32 s10, s15  }
0x107: {  	[hbm4b:s11+s19] =	stream.strided.scatter [tilespmem:s20], [sflag:$0x11], $0x2000, s7, s19, $0x38;
	[tilespmem:$0x1A400] =	vst v63  }
0x108: {  	_ =	swait.ge [sflag:s16], $0x2000  }
0x109: {  	s17 =	rddreg [dreg:$0x6];
	[sflag:s16] =	ssyncset.done $0x0  }
0x10a: {  	[sflag:s16] =	ssyncadd.s32 $0xFFFFE000;
	s11 =	sadd.s32 s10, s17  }
0x10b: {  	[hbm4b:s11+s19] =	stream.strided.scatter [tilespmem:s21], [sflag:$0x12], $0x2000, s7, s19, $0x38;
	[tilespmem:$0x1A400] =	vst v63  }
0x10c: {  	_ =	swait.ge [sflag:s28], $0x2000  }
0x10d: {  	s18 =	rddreg [dreg:$0x5];
	[sflag:s28] =	ssyncset.done $0x0  }
0x10e: {  	[sflag:s28] =	ssyncadd.s32 $0xFFFFE000;
	s11 =	sadd.s32 s10, s18  }
0x10f: {  	[hbm4b:s11+s19] =	stream.strided.scatter [tilespmem:s22], [sflag:$0x13], $0x2000, s7, s19, $0x38;
	[tilespmem:$0x1A400] =	vst v63  }
0x110: {  	_ =	swait.ge [sflag:s29], $0x2000  }
0x111: {  	s20 =	rddreg [dreg:$0x4];
	[sflag:s29] =	ssyncset.done $0x0  }
0x112: {  	s21 =	sadd.s32 s10, s20;
	[sflag:s29] =	ssyncadd.s32 $0xFFFFE000  }
0x113: {  	[hbm4b:s21+s19] =	stream.strided.scatter [tilespmem:s12], [sflag:$0x14], $0x2000, s7, s19, $0x38;
	[tilespmem:$0x1A400] =	vst v63  }
0x114: {  	_ =	swait.ge [sflag:s30], $0x2000  }
0x115: {  	[sflag:s30] =	ssyncset.done $0x0  }
0x116: {  	[sflag:s30] =	ssyncadd.s32 $0xFFFFE000  }
0x117: {  	_ =	swait.ge [sflag:s31], $0x2000  }
0x118: {  	[sflag:s31] =	ssyncset.done $0x0  }
0x119: {  	[sflag:s31] =	ssyncadd.s32 $0xFFFFE000  }
0x11a: {  	_ =	swait.ge [sflag:s1], $0x2000  }
0x11b: {  	[sflag:s1] =	ssyncset.done $0x0  }
0x11c: {  	[sflag:s1] =	ssyncadd.s32 $0xFFFFE000  }
0x11d: {  	_ =	swait.ge [sflag:s0], $0x2000  }
0x11e: {  	[sflag:s0] =	ssyncset.done $0x0  }
0x11f: {  	[sflag:s0] =	ssyncadd.s32 $0xFFFFE000  }
0x120: {  	_ =	swait.ge [sflag:s2], $0x2000  }
0x121: {  	[sflag:s2] =	ssyncset.done $0x0  }
0x122: {  	[sflag:s2] =	ssyncadd.s32 $0xFFFFE000  }
0x123: {  	_ =	swait.ge [sflag:s4], $0x2000  }
0x124: {  	[sflag:s4] =	ssyncset.done $0x0  }
0x125: {  	[sflag:s4] =	ssyncadd.s32 $0xFFFFE000  }
0x126: {  	_ =	swait.ge [sflag:s5], $0x2000  }
0x127: {  	[sflag:s5] =	ssyncset.done $0x0  }
0x128: {  	[sflag:s5] =	ssyncadd.s32 $0xFFFFE000  }
0x129: {  	_ =	swait.ge [sflag:s6], $0x2000  }
0x12a: {  	[sflag:s6] =	ssyncset.done $0x0  }
0x12b: {  	[sflag:s6] =	ssyncadd.s32 $0xFFFFE000  }
0x12c: {  	_ =	swait.ge [sflag:s8], $0x2000  }
0x12d: {  	[sflag:s8] =	ssyncset.done $0x0  }
0x12e: {  	[sflag:s8] =	ssyncadd.s32 $0xFFFFE000  }
0x12f: {  	_ =	swait.ge [sflag:s9], $0x2000  }
0x130: {  	s22 =	rddreg [dreg:$0xf]  }
0x131: {  	s23 =	rddreg [dreg:$0xe];
	s11 =	sadd.s32 $0x1, s22  }
0x132: {  	p0 =	sne.s32 s11, s23  }
.Ltmp1:
0x133: {  	_ = 	snop;
	(pc) =	sbr.rel @p0 .LBB2_1-.Ltmp1, $3  }
0x134: {  	_ =	sdelay $0x1  }
0x135: {  	[sflag:s9] =	ssyncset.done $0x0  }
0x136: {  	[sflag:s9] =	ssyncadd.s32 $0xFFFFE000  }
0x137: {  	_ =	sfence.sel $0x180000  }
0x138: {  	[bflag:$0x0] =	sbarrier.arrive $0xFFFF  }
0x139: {  	_ =	strace $0x90000047  }
0x13a: {  	s0 =	stileid.u32;
	[bflag:$0x2] =	sbarrier.arrive $0xFFFF  }
0x13b: {  	p0 =	sne.s32 s0, $0x0;
	s0 =	rddreg [dreg:$0x2]  }
0x13c: {  	s0 =	sadd.s32 @!p0 $0x100000, s0  }
0x13d: {  	[sflag:s0] =	ssyncadd.tile.s32 @!p0 $0x1;
	_ =	shalt  }
.Lfunc_end2:
_tile_overlayer_lowered:
.L_overlay_start_2:
0x13e: {  	(tag) =	ssettag $0x2  }
0x13f: {  	s0 =	rddreg [dreg:$0x0];
	s2 =	stileid.u32  }
0x140: {  	s1 =	rddreg [dreg:$0x1];
	p0 =	sne.s32 s2, $0x0  }
0x141: {  	s3 =	rddreg [dreg:$0x2];
	[bflag:$0x3] =	sbarrier.arrive $0xFFFF;
	s2 =	simm.s32 @!p0 $0x1C15  }
0x142: {  	[timem:s3], [sflag:s2] =	dma.local @!p0 [hbm:s0], s1  }
0x143: {  	s0 =	simm.s32 @!p0 $0x15  }
0x144: {  	_ =	swait.ge @!p0 [sflag:s0], s1  }
0x145: {  	s1 =	ssub.s32 @!p0 $0x0, s1;
	[sflag:s0] =	ssyncset.done @!p0 $0x0  }
0x146: {  	[sflag:s0] =	ssyncadd.s32 @!p0 s1  }
0x147: {  	[bflag:$0x3] =	sbarrier.arrive $0xFFFF  }
0x148: {  	_ =	shalt  }

// kernel: sparse-core-data-format-call.cloned.1.call-start
scs
called_computation_lowered:
.L_overlay_start_0:
0x0: {  	s2 =	sld [smem:$0x3FD9]  }
0x1: {  	s3 =	sld [smem:$0x3FFE];
	_ =	sdelay $0x1  }
0x2: {  	s1 =	srdreg.scid  }
0x3: {  	s0 =	sand.u32 $0x1, s1  }
0x4: {  	s18 =	sshll.u32 s0, $0xA;
	s2 =	sadd.s32 s3, s2  }
0x5: {  	s2 =	sadd.s32 s2, s18  }
0x6: {  	[smem:$0x3FC6] =	sst s2  }
0x7: {  	_ = 	snop  }
0x8: {  	s2 =	sld [smem:$0x3FD0];
	(tm) =	ssettm $0x1  }
0x9: {  	s19 =	sld [smem:$0x3FFB];
	_ =	sdelay $0x3  }
0xa: {  	_ =	strace s19  }
0xb: {  	s3 =	sld [smem:$0x3FFC];
	_ =	sdelay $0x3  }
0xc: {  	_ =	strace s3  }
0xd: {  	s3 =	sld [smem:$0x3FFD];
	_ =	sdelay $0x3  }
0xe: {  	_ =	strace s3  }
0xf: {  	_ =	strace $0x8FFFFFFF  }
0x10: {  	s20 =	sld [smem:$0x3FDB];
	_ =	sdelay $0x1  }
0x11: {  	s4 =	simm.s32 $_scs_section_size  }
0x12: {  	s5 =	simm.s32 $_size__tile_overlayer_lowered;
	s6 =	simm.s32 $_tile_overlayer_lowered  }
0x13: {  	s23 =	simm.s32 $0x1BFF;
	s22 =	sshll.u32 s6, $0x1;
	s3 =	sadd.s32 s4, s20  }
0x14: {  	s7 =	simm.s32 $0x0;
	s21 =	sshll.u32 s5, $0x1;
	s5 =	sadd.s32 s22, s3  }
0x15: {  	[timem:s7], [sflag:s23] =	dma.local [hbm:s5], s21  }
0x16: {  	_ =	swait.ge [sflag:s23], s21  }
0x17: {  	s4 =	ssub.s32 $0x0, s21;
	[sflag:s23] =	ssyncset.done $0x0  }
0x18: {  	[sflag:s23] =	ssyncadd.s32 s4;
	_ =	sdelay $0x1  }
0x19: {  	s24 =	simm.s32 $0x1B8B  }
0x1a: {  	_ =	swait.ge [sflag:s24], $0x1  }
0x1b: {  	[sflag:s24] =	ssyncset.done $0x0  }
0x1c: {  	s26 =	simm.s32 $0x1B8E;
	s25 =	sld [smem:$0x3FFE];
	[sflag:s24] =	ssyncadd.s32 $0xFFFFFFFF  }
0x1d: {  	s27 =	simm.s32 $execute0_lowered;
	[smem:$0x3FD2] =	sst s26  }
0x1e: {  	s5 =	sshll.u32 s27, $0x1;
	_ =	strace $0x80000049;
	[dreg:$0x1] =	wrdreg $0xFFFFFFFF  }
0x1f: {  	s28 =	simm.s32 $_size_execute0_lowered;
	s3 =	sadd.s32 s3, s5;
	[dreg:$0x0] =	wrdreg $0x0  }
0x20: {  	s5 =	sshll.u32 s28, $0x1;
	[dreg:$0x2] =	wrdreg s3  }
0x21: {  	[dreg:$0x3] =	wrdreg s5  }
0x22: {  	[dreg:$0x4] =	wrdreg $0xC0  }
0x23: {  	_ =	task [dreg:s7], $0x5FFFF  }
0x24: {  	[dreg:$0x1] =	wrdreg $0xFFFFFFFF  }
0x25: {  	[dreg:$0x0] =	wrdreg $0x60  }
0x26: {  	[dreg:$0x2] =	wrdreg s25  }
0x27: {  	[dreg:$0x3] =	wrdreg s2  }
0x28: {  	[dreg:$0x4] =	wrdreg $0x9  }
0x29: {  	_ =	task.clear_ibuf [dreg:s7], $0x5FFFF;
	_ =	strace $0x90000049  }
0x2a: {  	s29 =	simm.s32 $0x9;
	_ =	strace $0x8000004B  }
0x2b: {  	_ =	swait.ge [sflag:s29], $0x1  }
0x2c: {  	[sflag:s29] =	ssyncadd.s32 $0xFFFFFFFF  }
0x2d: {  	_ =	strace $0x9000004B  }
0x2e: {  	_ =	sfence  }
0x2f: {  	s30 =	sld [smem:$0x0];
	_ =	sdelay $0x2  }
0x30: {  	s31 =	sshll.u32 s1, $0xD;
	s1 =	sshrl.u32 s1, $0x2  }
0x31: {  	s3 =	sand.u32 $0x4000, s31;
	s1 =	sadd.s32 s1, s30  }
0x32: {  	s0 =	sor.u32 s3, s0;
	s1 =	sshll.u32 s1, $0x11  }
0x33: {  	s0 =	sor.u32 s1, s0  }
0x34: {  	s0 =	sadd.s32 $0x8F2B, s0  }
0x35: {  	[sflag:s0] =	ssyncadd.remote.s32 $0x1  }
0x36: {  	_ =	sfence.sel $0xFFFF  }
0x37: {  	[dreg:$0x0] =	wrdreg $0xFFFFFFFF;
	(pc) =	sbr.abs _section_cstart, $3  }
0x38: {  	[dreg:$0x1] =	wrdreg $0xFFFFFFFF  }
0x39: {  	_ =	task.clear_ibuf [dreg:s7], $0x2FFFF;
	_ =	strace $0x9FFFFFFF  }
0x3a: {  	(tm) =	ssettm $0x7FFFFFFF  }
0x3b: {  	_ =	shalt  }
tec
execute0_lowered:
.L_overlay_start_1:
0x0: {  	(tag) =	ssettag $0x1  }
0x1: {  	s0 =	srdreg.scid  }
0x2: {  	s1 =	sshll.u32 s0, $0x4  }
0x3: {  	s0 =	stileid.u32;
	s1 =	sand.u32 $0x10, s1  }
0x4: {  	s7 =	rddreg [dreg:$0x0];
	s1 =	sor.u32 s0, s1  }
0x5: {  	s4 =	simm.s32 $0x1;
	s8 =	simm.s32 $0x2;
	s2 =	sshll.u32 s1, $0x7  }
0x6: {  	s13 =	simm.s32 $0x0;
	s9 =	simm.s32 $0x20000;
	s1 =	ssub.s32 $0x4000, s2  }
0x7: {  	s14 =	simm.s32 $0x0;
	s11 =	simm.s32 $0x0;
	s3 =	sand.u32 $0xF80, s1  }
0x8: {  	s12 =	simm.s32 $0x0;
	s5 =	sshrl.u32 s1, $0xC;
	p0 =	sne.s32 s3, $0x0  }
.Ltmp0:
0x9: {  	s1 =	rddreg [dreg:$0x2];
	s4 =	simm.s32 @!p0 $0x0;
	(pc) =	sbr.rel .LBB1_1-.Ltmp0, $4  }
0xa: {  	s6 =	sadd.s32 $0xA00, s7;
	s3 =	rddreg [dreg:$0x1];
	s5 =	sadd.s32 s4, s5  }
0xb: {  	_ =	strace $0x8000004A;
	s4 =	simm.s32 $0x1;
	s5 =	smul.u32 $0x19, s5  }
0xc: {  	s7 =	sadd.s32 $0x40A00, s7;
	s10 =	smov.u32 s2;
	[sflag:s4] =	ssyncpa.u1 $0x0  }
0xd: {  	p0 =	por $0x0, $0x0;
	[sflag:s8] =	ssyncpa.u1 $0x0;
	s8 =	sadd.s32 $0x1, s5  }
.LBB1_7:
0xe: {  	s15 =	sadd.s32 $0x1000, s10  }
0xf: {  	s13 =	sadd.s32 $0x2, s11;
	s17 =	smov.u32 s11;
	p2 =	sgt.s32 s15, $0x3FFF  }
0x10: {  	s17 =	smov.u32 @p2 s13  }
0x11: {  	s15 =	smov.u32 @p2 s2;
	p2 =	sgt.s32 s17, $0x31  }
0x12: {  	s17 =	simm.s32 @p2 $0x0;
	p2 =	sne.s32 s12, s8  }
.Ltmp1:
0x13: {  	p1 =	slt.u32 s12, $0x2;
	(pc) =	sbr.rel @!p2 .LBB1_8-.Ltmp1, $4  }
0x14: {  	s16 =	simm.s32 @!p1 $0x2  }
0x15: {  	s14 =	smov.u32 s11;
	p0 =	por !p0, !p0;
	_ =	swait.ge @!p1 [sflag:s16], $0x4000  }
0x16: {  	s13 =	smov.u32 s10;
	[sflag:s16] =	ssyncset.done @!p1 $0x0;
	s10 =	smov.u32 s15  }
0x17: {  	s12 =	sadd.s32 $0x1, s12;
	[sflag:s16] =	ssyncadd.s32 @!p1 $0xFFFFC000;
	s11 =	smov.u32 s17  }
.LBB1_1:
0x18: {  	p1 =	sge.u32 s12, s5  }
0x19: {  	s15 =	sxor.u32 @!p1 $0xFFFFFFFF, s12;
	s16 =	sshll.u32 @!p1 s11, $0x12  }
0x1a: {  	s17 =	sshll.u32 @!p1 s10, $0x4;
	s19 =	simm.s32 @!p1 $0x40;
	s20 =	simm.s32 @!p1 $0x80  }
0x1b: {  	s15 =	sshll.u32 @!p1 s15, $0xE;
	s17 =	sand.u32 @!p1 $0x3FFF0, s17;
	s18 =	sadd.s32 @!p1 s6, s16  }
0x1c: {  	s16 =	sadd.s32 @!p1 s16, s7;
	s15 =	sand.u32 @!p1 $0x4000, s15;
	s18 =	sadd.s32 @!p1 s17, s18  }
0x1d: {  	[tilespmem:s15], [sflag:$0x1] =	stream.strided.gather @!p1 [hbm4b:s18+s19], $0x2000, s20, s19, $0x38;
	[tilespmem:$0x10100] =	vst v63  }
0x1e: {  	s31 =	sadd.s32 $0xFFFFFFFF, s12;
	s16 =	sadd.s32 @!p1 s17, s16;
	s15 =	sor.u32 @!p1 $0x2000, s15  }
0x1f: {  	[tilespmem:s15], [sflag:$0x1] =	stream.strided.gather @!p1 [hbm4b:s16+s19], $0x2000, s20, s19, $0x38;
	[tilespmem:$0x10100] =	vst v63  }
0x20: {  	p1 =	sge.u32 s31, s5  }
.Ltmp2:
0x21: {  	_ = 	snop;
	(pc) =	sbr.rel @p1 .LBB1_7-.Ltmp2, $1  }
0x22: {  	_ =	sdelay $0x3  }
0x23: {  	s15 =	simm.s32 $0x1;
	s17 =	sand.u32 $0x1, s12  }
0x24: {  	_ =	swait.ge [sflag:s4], $0x4000;
	s15 =	simm.s32 @!p0 $0x0;
	s17 =	smul.u32 $0x10200, s17  }
0x25: {  	p2 =	por $0x1, $0x1;
	[sflag:s4] =	ssyncset.done $0x0;
	s16 =	smul.u32 $0x10200, s15  }
0x26: {  	s18 =	sshll.u32 s15, $0x10;
	[sflag:s4] =	ssyncadd.s32 $0xFFFFC000;
	s30 =	sshrl.u32 s17, $0x2  }
0x27: {  	s31 =	sshrl.u32 s18, $0x2;
	s18 =	simm.s32 $0x0;
	s16 =	sshrl.u32 s16, $0x2  }
0x28: {  	s15 =	sor.u32 $0x8000, s30;
	s17 =	sadd.s32 $0x20, s31;
	s16 =	sor.u32 $0x8000, s16  }
.LBB1_3:
0x29: {  	s19 =	sshll.u32 s18, $0xD  }
0x2a: {  	s19 =	sand.u32 $0x3FFFE000, s19  }
0x2b: {  	s21 =	sadd.s32 s19, s17  }
0x2c: {  	s31 =	smul.u32 $0x8100, s18;
	v3 =	vld [tilespmem:s21+$0x10]  }
0x2d: {  	v1 =	vld [tilespmem:s21+$0xFFFFFFF0]  }
0x2e: {  	s18 =	sshra.s32 s31, $0x2;
	v0 =	vld [tilespmem:s21+$0x0]  }
0x2f: {  	s18 =	sadd.s32 s18, s16;
	v2 =	vld [tilespmem:s21+$0xFFFFFFE0]  }
0x30: {  	s19 =	sadd.s32 $0x0, s18  }
0x31: {  	p1 =	por p2, p2;
	s20 =	simm.s32 $0x4;
	s21 =	sadd.s32 $0x40, s21;
	[tilespmem:s19+$0x1830 ss:$0x81] =	vst.msk $0xffff, v3  }
.LBB1_4:
0x32: {  	v3 =	vld [tilespmem:s21+$0x10];
	p2 =	sne.s32 s20, $0x1FC;
	[tilespmem:s19+$0x810 ss:$0x81] =	vst.msk $0xffff, v1;
	s22 =	smov.u32 s20;
	s20 =	sadd.s32 $0x4, s20  }
.Ltmp3:
0x33: {  	v1 =	vld [tilespmem:s21+$0xFFFFFFF0];
	[tilespmem:s19+$0x1020 ss:$0x81] =	vst.msk $0xffff, v0;
	(pc) =	sbr.rel @p2 .LBB1_4-.Ltmp3, $4  }
0x34: {  	v0 =	vld [tilespmem:s21+$0x0];
	[tilespmem:s19+$0x0 ss:$0x81] =	vst.msk $0xffff, v2  }
0x35: {  	s19 =	sshra.s32 s22, $0x2;
	v2 =	vld [tilespmem:s21+$0xFFFFFFE0]  }
0x36: {  	s19 =	sadd.s32 s19, s18  }
0x37: {  	s21 =	sadd.s32 $0x40, s21;
	[tilespmem:s19+$0x1830 ss:$0x81] =	vst.msk $0xffff, v3  }
.Ltmp4:
0x38: {  	(pc) =	sbr.rel @p1 .LBB1_3-.Ltmp4, $4  }
0x39: {  	_ = 	snop  }
0x3a: {  	[tilespmem:s19+$0x810 ss:$0x81] =	vst.msk $0xffff, v1  }
0x3b: {  	[tilespmem:s19+$0x1020 ss:$0x81] =	vst.msk $0xffff, v0  }
0x3c: {  	s18 =	simm.s32 $0x1;
	p2 =	por $0x0, $0x0;
	[tilespmem:s19+$0x0 ss:$0x81] =	vst.msk $0xffff, v2  }
0x3d: {  	s16 =	sshll.u32 s13, $0x3;
	s17 =	sand.u32 $0x78, s13;
	s14 =	sshll.u32 s14, $0x11  }
.Ltmp5:
0x3e: {  	s30 =	sand.u32 $0x1F800, s13;
	s16 =	sand.u32 $0x3C00, s16;
	(pc) =	sbr.rel .LBB1_7-.Ltmp5, $4  }
0x3f: {  	s31 =	sand.u32 $0x7, s13;
	s14 =	sadd.s32 s3, s14;
	s16 =	sor.u32 s17, s16  }
0x40: {  	s13 =	sshll.u32 s31, $0x12;
	s14 =	sadd.s32 s30, s14;
	s16 =	sshrl.u32 s16, $0x3  }
0x41: {  	s13 =	sor.u32 $0x400, s13;
	s14 =	sadd.s32 s16, s14  }
0x42: {  	[hbm4b:s14+s13] =	stream.strided.scatter [tilespmem:s15], [sflag:$0x2], $0x4000, s9, s13, $0x20;
	[tilespmem:$0x10100] =	vst v63  }
.LBB1_8:
0x43: {  	_ =	sfence.sel $0x180000  }
0x44: {  	s2 =	simm.s32 $0x1;
	[bflag:$0x0] =	sbarrier.arrive $0xFFFF  }
0x45: {  	s31 =	simm.s32 $0x2;
	[sflag:s2] =	ssyncpa.u1 $0x1  }
0x46: {  	[sflag:s31] =	ssyncpa.u1 $0x1  }
0x47: {  	p0 =	sne.s32 s0, $0x0;
	_ =	strace $0x9000004A  }
0x48: {  	s0 =	sadd.s32 @!p0 $0x100000, s1;
	[bflag:$0x2] =	sbarrier.arrive $0xFFFF  }
0x49: {  	[sflag:s0] =	ssyncadd.tile.s32 @!p0 $0x1;
	_ =	shalt  }
.Lfunc_end1:
_tile_overlayer_lowered:
.L_overlay_start_2:
0x4a: {  	(tag) =	ssettag $0x2  }
0x4b: {  	s0 =	rddreg [dreg:$0x0];
	s2 =	stileid.u32  }
0x4c: {  	s1 =	rddreg [dreg:$0x1];
	p0 =	sne.s32 s2, $0x0  }
0x4d: {  	s3 =	rddreg [dreg:$0x2];
	[bflag:$0x3] =	sbarrier.arrive $0xFFFF;
	s2 =	simm.s32 @!p0 $0x1C01  }
0x4e: {  	[timem:s3], [sflag:s2] =	dma.local @!p0 [hbm:s0], s1  }
0x4f: {  	s0 =	simm.s32 @!p0 $0x1  }
0x50: {  	_ =	swait.ge @!p0 [sflag:s0], s1  }
0x51: {  	s1 =	ssub.s32 @!p0 $0x0, s1;
	[sflag:s0] =	ssyncset.done @!p0 $0x0  }
0x52: {  	[sflag:s0] =	ssyncadd.s32 @!p0 s1  }
0x53: {  	[bflag:$0x3] =	sbarrier.arrive $0xFFFF  }
0x54: {  	_ =	shalt  }

</sc_bundles>
